<compile_context>
chip_gen: v7x
topology: tpu7x:2x2x1
jax: 0.10.2.dev20260603
libtpu: 0.0.44.dev20260713+nightly
codegen_flags: <defaults>
</compile_context>

<pallas_src>
import functools

import jax
import jax.numpy as jnp
from jax import lax
from jax.experimental import pallas as pl
from jax.experimental.pallas import tpu as pltpu
from jax.experimental.pallas import tpu_sc as plsc

N_ROWS = 320000
N_SEG = 10000
D = 128
S_PAD = 10240
H_SC = 209408
C_ROWS = 128
N_CHUNKS = H_SC // C_ROWS
NW = 32
MAX_ORD = -(-N_CHUNKS // NW)
N_STEPS = -(-MAX_ORD // 2)
STRIPE = S_PAD // 16


def _sc_body(vals, seg_ids, acc_out, cnt_out,
             acc_sp, cnt_sp, rows0, rows1, ids0, ids1, ones_v, zcnt_v,
             semr0, semr1, semi0, semi1, semc0, semc1):
    c = lax.axis_index("c")
    s = lax.axis_index("s")
    w = s * 2 + c
    rows = (rows0, rows1)
    ids = (ids0, ids1)
    semr = (semr0, semr1)
    semi = (semi0, semi1)
    semc = (semc0, semc1)

    z16 = jnp.zeros((16,), jnp.float32)
    o16 = jnp.ones((16,), jnp.float32)

    def _zrow(i, carry):
        rows0[i // 8, pl.ds((i % 8) * 16, 16)] = z16
        return carry
    lax.fori_loop(0, C_ROWS * 8, _zrow, 0)

    def _zcnt(i, carry):
        zcnt_v[pl.ds(i * 16, 16)] = z16
        return carry
    lax.fori_loop(0, STRIPE // 16, _zcnt, 0)

    for t in range(8):
        ones_v[pl.ds(t * 16, 16)] = o16

    base = s * STRIPE
    for q in range(STRIPE // C_ROWS):
        pltpu.sync_copy(rows0, acc_sp.at[pl.ds(base + q * C_ROWS, C_ROWS), :])
    pltpu.sync_copy(zcnt_v, cnt_sp.at[pl.ds(base, STRIPE)])
    plsc.subcore_barrier()

    def _issue(k, b):
        @pl.when(k < N_CHUNKS)
        def _():
            pltpu.async_copy(vals.at[pl.ds(k * C_ROWS, C_ROWS), :],
                             rows[b], semr[b])
            pltpu.async_copy(seg_ids.at[pl.ds(k * C_ROWS, C_ROWS)],
                             ids[b], semi[b])

    _issue(w, 0)

    def _step(i, carry):
        for b in range(2):
            ordinal = 2 * i + b
            k = w + ordinal * NW

            @pl.when(k < N_CHUNKS)
            def _():
                @pl.when(ordinal >= 1)
                def _():
                    pltpu.make_async_copy(ones_v, cnt_sp.at[ids[1 - b]],
                                          semc[1 - b]).wait()
                _issue(k + NW, 1 - b)
                pltpu.make_async_copy(vals.at[pl.ds(k * C_ROWS, C_ROWS), :],
                                      rows[b], semr[b]).wait()
                pltpu.make_async_copy(seg_ids.at[pl.ds(k * C_ROWS, C_ROWS)],
                                      ids[b], semi[b]).wait()
                pltpu.sync_copy(rows[b], acc_sp.at[ids[b]], add=True)
                pltpu.async_copy(ones_v, cnt_sp.at[ids[b]], semc[b], add=True)
        return carry
    lax.fori_loop(0, N_STEPS, _step, 0)

    n_valid = (N_CHUNKS - w + NW - 1) // NW
    last_b = (n_valid - 1) % 2

    @pl.when(last_b == 0)
    def _():
        pltpu.make_async_copy(ones_v, cnt_sp.at[ids0], semc0).wait()

    @pl.when(last_b == 1)
    def _():
        pltpu.make_async_copy(ones_v, cnt_sp.at[ids1], semc1).wait()

    plsc.subcore_barrier()

    pltpu.sync_copy(acc_sp.at[pl.ds(base, STRIPE), :],
                    acc_out.at[c, pl.ds(base, STRIPE), :])
    pltpu.sync_copy(cnt_sp.at[pl.ds(base, STRIPE)],
                    cnt_out.at[c, pl.ds(base, STRIPE)])


_sc_agg = functools.partial(
    pl.kernel,
    out_type=[
        jax.ShapeDtypeStruct((2, S_PAD, D), jnp.float32),
        jax.ShapeDtypeStruct((2, S_PAD), jnp.float32),
    ],
    mesh=plsc.VectorSubcoreMesh(core_axis_name="c", subcore_axis_name="s"),
    scratch_types=[
        pltpu.VMEM_SHARED((S_PAD, D), jnp.float32),
        pltpu.VMEM_SHARED((S_PAD,), jnp.float32),
        pltpu.VMEM((C_ROWS, D), jnp.float32),
        pltpu.VMEM((C_ROWS, D), jnp.float32),
        pltpu.VMEM((C_ROWS,), jnp.int32),
        pltpu.VMEM((C_ROWS,), jnp.int32),
        pltpu.VMEM((C_ROWS,), jnp.float32),
        pltpu.VMEM((STRIPE,), jnp.float32),
        pltpu.SemaphoreType.DMA,
        pltpu.SemaphoreType.DMA,
        pltpu.SemaphoreType.DMA,
        pltpu.SemaphoreType.DMA,
        pltpu.SemaphoreType.DMA,
        pltpu.SemaphoreType.DMA,
    ],
)(_sc_body)



SEG_T = 128
N_TILES = S_PAD // SEG_T
TB = 2048
NB_TC = (N_ROWS - H_SC) // TB
NBUF = 4


def _tc_body(meta_ref, vals, seg_ids, acc_ref, cnt_ref, rows, ids, semr, semi):
    t = pl.program_id(0)
    blo = meta_ref[t]
    nblk = meta_ref[N_TILES + t] - blo

    acc_ref[...] = jnp.zeros((SEG_T, D), jnp.float32)
    cnt_ref[...] = jnp.zeros((SEG_T, 1), jnp.float32)

    def _tissue(j, b):
        @pl.when(j < nblk)
        def _():
            off = H_SC + (blo + j) * TB
            pltpu.make_async_copy(vals.at[pl.ds(off, TB), :],
                                  rows.at[b], semr.at[b]).start()
            pltpu.make_async_copy(seg_ids.at[pl.ds(off, TB)],
                                  ids.at[b], semi.at[b]).start()

    for b in range(NBUF - 1):
        _tissue(b, b)
    seg_iota = t * SEG_T + lax.broadcasted_iota(jnp.int32, (SEG_T, TB), 0)

    def _tstep(i, carry):
        for b in range(NBUF):
            j = NBUF * i + b

            @pl.when(j < nblk)
            def _():
                _tissue(j + NBUF - 1, (b + NBUF - 1) % NBUF)
                off = H_SC + (blo + j) * TB
                pltpu.make_async_copy(vals.at[pl.ds(off, TB), :],
                                      rows.at[b], semr.at[b]).wait()
                pltpu.make_async_copy(seg_ids.at[pl.ds(off, TB)],
                                      ids.at[b], semi.at[b]).wait()
                ids_blk = ids[b].reshape(1, TB)
                onehot = (seg_iota == ids_blk).astype(jnp.float32)
                r = rows[b]
                r_hi = r.astype(jnp.bfloat16).astype(jnp.float32)
                r_cat = jnp.concatenate([r_hi, r - r_hi], axis=1)
                dims = (((1,), (0,)), ((), ()))
                prod = lax.dot_general(onehot, r_cat, dims,
                                       preferred_element_type=jnp.float32)
                acc_ref[...] += prod[:, :D] + prod[:, D:]
                cnt_ref[...] += jnp.sum(onehot, axis=1, keepdims=True)
        return carry
    lax.fori_loop(0, (nblk + NBUF - 1) // NBUF, _tstep, 0)


_tc_part = pl.pallas_call(
    _tc_body,
    grid_spec=pltpu.PrefetchScalarGridSpec(
        num_scalar_prefetch=1,
        grid=(N_TILES,),
        in_specs=[
            pl.BlockSpec(memory_space=pl.ANY),
            pl.BlockSpec(memory_space=pl.ANY),
        ],
        out_specs=[
            pl.BlockSpec((SEG_T, D), lambda t, b_ref: (t, 0)),
            pl.BlockSpec((SEG_T, 1), lambda t, b_ref: (t, 0)),
        ],
        scratch_shapes=[
            pltpu.VMEM((NBUF, TB, D), jnp.float32),
            pltpu.VMEM((NBUF, TB), jnp.int32),
            pltpu.SemaphoreType.DMA((NBUF,)),
            pltpu.SemaphoreType.DMA((NBUF,)),
        ],
    ),
    out_shape=[
        jax.ShapeDtypeStruct((S_PAD, D), jnp.float32),
        jax.ShapeDtypeStruct((S_PAD, 1), jnp.float32),
    ],
)


RB = 2000


def _merge_body(a_ref, c_ref, at_ref, ct_ref, o_ref):
    sums = a_ref[0] + a_ref[1] + at_ref[...]
    cnts = c_ref[0] + c_ref[1] + ct_ref[...]
    o_ref[...] = sums / jnp.maximum(cnts, 1.0)


_merge = pl.pallas_call(
    _merge_body,
    grid=(N_SEG // RB,),
    in_specs=[
        pl.BlockSpec((2, RB, D), lambda r: (0, r, 0)),
        pl.BlockSpec((2, RB, 1), lambda r: (0, r, 0)),
        pl.BlockSpec((RB, D), lambda r: (r, 0)),
        pl.BlockSpec((RB, 1), lambda r: (r, 0)),
    ],
    out_specs=pl.BlockSpec((RB, D), lambda r: (r, 0)),
    out_shape=jax.ShapeDtypeStruct((N_SEG, D), jnp.float32),
)


def kernel(input_values, segment_ids):
    ids32 = segment_ids.astype(jnp.int32)
    first = lax.slice(ids32, (H_SC,), (N_ROWS,), (TB,))
    nxt = jnp.concatenate(
        [first[1:], jnp.full((1,), jnp.iinfo(jnp.int32).max, jnp.int32)])
    tile_lo = jnp.arange(N_TILES, dtype=jnp.int32) * SEG_T
    blo = jnp.sum(nxt[None, :] < tile_lo[:, None], axis=1,
                  dtype=jnp.int32)
    bhi = jnp.sum(first[None, :] < (tile_lo[:, None] + SEG_T), axis=1,
                  dtype=jnp.int32)
    meta = jnp.concatenate([blo, jnp.maximum(bhi, blo)])
    acc_sc, cnt_sc = _sc_agg(input_values, ids32)
    acc_tc, cnt_tc = _tc_part(meta, input_values, ids32)
    return _merge(acc_sc, cnt_sc.reshape(2, S_PAD, 1), acc_tc, cnt_tc)

# --- scband reference (transcript-rebuilt; emitter-appended) ---
"""Pipeline reference for scband-aggregation-layer-59502476919113 (READ-ONLY COPY).

The authoritative reference and input builder live on the scoring server;
editing this copy changes nothing except your own understanding.
"""

import jax, jax.numpy as jnp
import numpy as np

N_SEGMENTS = 10000  # number of output neurons (layer_neurons)
N_INPUTS = 320000   # total gathered inputs across all neurons (ragged: inputs_dims do NOT match)
D = 128             # feature dim of each input value


def setup_inputs(seed: int = 0) -> dict:
    key = jax.random.key(seed)
    k1, k2 = jax.random.split(key)
    # gathered input values (output of self.gather(layer_values))
    input_values = jax.random.normal(k1, (N_INPUTS, D), dtype=jnp.float32)
    # self.index = repeat_interleave(arange(n_neurons), inputs_dims) -> sorted, non-decreasing segment ids
    segment_ids = jnp.sort(jax.random.randint(k2, (N_INPUTS,), 0, N_SEGMENTS, dtype=jnp.int32))
    return {"input_values": input_values, "segment_ids": segment_ids}


def reference(input_values, segment_ids):
    # Ragged path of AggregationLayer.forward: scatter_mean(input_values, self.index, dim=0)
    sums = jax.ops.segment_sum(input_values, segment_ids, num_segments=N_SEGMENTS)
    counts = jax.ops.segment_sum(
        jnp.ones((input_values.shape[0],), dtype=input_values.dtype),
        segment_ids,
        num_segments=N_SEGMENTS,
    )
    # scatter_mean divides by per-segment counts (avoid div-by-zero for empty segments)
    y = sums / jnp.maximum(counts, 1.0)[:, None]
    return y

if __name__ == "__main__":
    import jax
    _d = setup_inputs()
    print(jax.jit(kernel)(*tuple(_d.values())))

</pallas_src>

<mosaic_0001>
#map = affine_map<(d0, d1) -> (0, 0)>
#map1 = affine_map<(d0, d1) -> (0)>
#map2 = affine_map<(d0, d1) -> (0, 0, 0)>
module attributes {stable_mosaic.version = 14 : i64} {
  func.func @_sc_body(%arg0: i32, %arg1: i32, %arg2: memref<320000x128xf32, #tpu.memory_space<hbm>>, %arg3: memref<320000xi32, #tpu.memory_space<hbm>>, %arg4: memref<2x10240x128xf32, #tpu.memory_space<hbm>>, %arg5: memref<2x10240xf32, #tpu.memory_space<hbm>>, %arg6: memref<10240x128xf32, #tpu.memory_space<vmem_shared>>, %arg7: memref<10240xf32, #tpu.memory_space<vmem_shared>>, %arg8: memref<128x128xf32, #tpu.memory_space<vmem>>, %arg9: memref<128x128xf32, #tpu.memory_space<vmem>>, %arg10: memref<128xi32, #tpu.memory_space<vmem>>, %arg11: memref<128xi32, #tpu.memory_space<vmem>>, %arg12: memref<128xf32, #tpu.memory_space<vmem>>, %arg13: memref<640xf32, #tpu.memory_space<vmem>>, %arg14: memref<!tpu.dma_semaphore, #tpu.memory_space<semaphore_mem>>, %arg15: memref<!tpu.dma_semaphore, #tpu.memory_space<semaphore_mem>>, %arg16: memref<!tpu.dma_semaphore, #tpu.memory_space<semaphore_mem>>, %arg17: memref<!tpu.dma_semaphore, #tpu.memory_space<semaphore_mem>>, %arg18: memref<!tpu.dma_semaphore, #tpu.memory_space<semaphore_mem>>, %arg19: memref<!tpu.dma_semaphore, #tpu.memory_space<semaphore_mem>>) attributes {dimension_semantics = [#tpu.dimension_semantics<core_parallel>, #tpu.dimension_semantics<subcore_parallel>], iteration_bounds = array<i64: 2, 16>, scalar_prefetch = 0 : i64, scratch_operands = 14 : i64, tpu.core_type = #tpu.core_type<sc_vector_subcore>, window_params = [{transform_indices = #map}, {transform_indices = #map1}, {transform_indices = #map2}, {transform_indices = #map}]} {
    %mul3A = arith.constant 2 : i32
    %mul3A_0 = arith.muli %arg1, %mul3A : i32
    %add3A = arith.addi %mul3A_0, %arg0 : i32
    %broadcast_in_dim3A = arith.constant 0.000000e+00 : f32
    %broadcast_in_dim3A_1 = vector.broadcast %broadcast_in_dim3A : f32 to vector<16xf32>
    %broadcast_in_dim3A_2 = arith.constant 1.000000e+00 : f32
    %broadcast_in_dim3A_3 = vector.broadcast %broadcast_in_dim3A_2 : f32 to vector<16xf32>
    %scan3A = arith.constant 0 : i32
    %scan3A_4 = arith.constant 0 : i32
    %scan3A_5 = arith.constant 1024 : i32
    %scan3A_6 = arith.addi %scan3A_4, %scan3A_5 : i32
    %scan3A_7 = arith.constant 1 : i32
    scf.for %scan3A_116 = %scan3A_4 to %scan3A_6 step %scan3A_7  : i32 {
      %jit3A_117 = arith.constant 8 : i32
      %div3A_118 = arith.divsi %scan3A_116, %jit3A_117 : i32
      %sign3A_119 = arith.constant 0 : i32
      %sign3A_120 = arith.cmpi sgt, %scan3A_116, %sign3A_119 : i32
      %sign3A_121 = arith.extui %sign3A_120 : i1 to i32
      %sign3A_122 = arith.constant 0 : i32
      %sign3A_123 = arith.cmpi slt, %scan3A_116, %sign3A_122 : i32
      %sign3A_124 = arith.extui %sign3A_123 : i1 to i32
      %sign3A_125 = arith.subi %sign3A_121, %sign3A_124 : i32
      %sign3A_126 = arith.constant 0 : i32
      %sign3A_127 = arith.cmpi sgt, %jit3A_117, %sign3A_126 : i32
      %sign3A_128 = arith.extui %sign3A_127 : i1 to i32
      %sign3A_129 = arith.constant 0 : i32
      %sign3A_130 = arith.cmpi slt, %jit3A_117, %sign3A_129 : i32
      %sign3A_131 = arith.extui %sign3A_130 : i1 to i32
      %sign3A_132 = arith.subi %sign3A_128, %sign3A_131 : i32
      %ne3A_133 = arith.cmpi ne, %sign3A_125, %sign3A_132 : i32
      %rem3A_134 = arith.remsi %scan3A_116, %jit3A_117 : i32
      %ne3A_135 = arith.constant 0 : i32
      %ne3A_136 = arith.cmpi ne, %rem3A_134, %ne3A_135 : i32
      %and3A_137 = arith.andi %ne3A_133, %ne3A_136 : i1
      %sub3A_138 = arith.constant 1 : i32
      %sub3A_139 = arith.subi %div3A_118, %sub3A_138 : i32
      %select_n3A_140 = arith.select %and3A_137, %sub3A_139, %div3A_118 : i32
      %jit3A_141 = arith.constant 8 : i32
      %eq3A_142 = arith.constant 0 : i32
      %eq3A_143 = arith.cmpi eq, %jit3A_141, %eq3A_142 : i32
      %jit3A_144 = arith.constant 1 : i32
      %select_n3A_145 = arith.select %eq3A_143, %jit3A_144, %jit3A_141 : i32
      %rem3A_146 = arith.remsi %scan3A_116, %select_n3A_145 : i32
      %ne3A_147 = arith.constant 0 : i32
      %ne3A_148 = arith.cmpi ne, %rem3A_146, %ne3A_147 : i32
      %lt3A_149 = arith.constant 0 : i32
      %lt3A_150 = arith.cmpi slt, %rem3A_146, %lt3A_149 : i32
      %lt3A_151 = arith.constant 0 : i32
      %lt3A_152 = arith.cmpi slt, %select_n3A_145, %lt3A_151 : i32
      %ne3A_153 = arith.xori %lt3A_150, %lt3A_152 : i1
      %and3A_154 = arith.andi %ne3A_153, %ne3A_148 : i1
      %add3A_155 = arith.addi %rem3A_146, %select_n3A_145 : i32
      %select_n3A_156 = arith.select %and3A_154, %add3A_155, %rem3A_146 : i32
      %mul3A_157 = arith.constant 16 : i32
      %mul3A_158 = arith.muli %select_n3A_156, %mul3A_157 : i32
      %swap3A_159 = arith.index_cast %select_n3A_140 : i32 to index
      %swap3A_160 = arith.index_cast %mul3A_158 : i32 to index
      %swap3A_161 = tpu.vector_load %arg8[%swap3A_159, %swap3A_160] {strides = array<i32>} : memref<128x128xf32, #tpu.memory_space<vmem>>, vector<1x16xf32>,
      %swap3A_162 = vector.shape_cast %swap3A_161 : vector<1x16xf32> to vector<16xf32>
      %swap3A_163 = vector.shape_cast %broadcast_in_dim3A_1 : vector<16xf32> to vector<1x16xf32>
      tpu.vector_store %arg8[%swap3A_159, %swap3A_160], %swap3A_163 {strides = array<i32>} : memref<128x128xf32, #tpu.memory_space<vmem>>, vector<1x16xf32>,
    }
    %scan3A_8 = arith.constant 1024 : i32
    %scan3A_9 = arith.constant 0 : i32
    %scan3A_10 = arith.constant 0 : i32
    %scan3A_11 = arith.constant 40 : i32
    %scan3A_12 = arith.addi %scan3A_10, %scan3A_11 : i32
    %scan3A_13 = arith.constant 1 : i32
    scf.for %scan3A_116 = %scan3A_10 to %scan3A_12 step %scan3A_13  : i32 {
      %mul3A_117 = arith.constant 16 : i32
      %mul3A_118 = arith.muli %scan3A_116, %mul3A_117 : i32
      %swap3A_119 = arith.index_cast %mul3A_118 : i32 to index
      %swap3A_120 = tpu.vector_load %arg13[%swap3A_119] {strides = array<i32>} : memref<640xf32, #tpu.memory_space<vmem>>, vector<16xf32>,
      %swap3A_121 = vector.shape_cast %swap3A_120 : vector<16xf32> to vector<16xf32>
      %swap3A_122 = vector.shape_cast %broadcast_in_dim3A_1 : vector<16xf32> to vector<16xf32>
      tpu.vector_store %arg13[%swap3A_119], %swap3A_122 {strides = array<i32>} : memref<640xf32, #tpu.memory_space<vmem>>, vector<16xf32>,
    }
    %scan3A_14 = arith.constant 40 : i32
    %swap3A = arith.constant 0 : index
    %swap3A_15 = tpu.vector_load %arg12[%swap3A] {strides = array<i32>} : memref<128xf32, #tpu.memory_space<vmem>>, vector<16xf32>,
    %swap3A_16 = vector.shape_cast %swap3A_15 : vector<16xf32> to vector<16xf32>
    %swap3A_17 = vector.shape_cast %broadcast_in_dim3A_3 : vector<16xf32> to vector<16xf32>
    tpu.vector_store %arg12[%swap3A], %swap3A_17 {strides = array<i32>} : memref<128xf32, #tpu.memory_space<vmem>>, vector<16xf32>,
    %swap3A_18 = arith.constant 16 : index
    %swap3A_19 = tpu.vector_load %arg12[%swap3A_18] {strides = array<i32>} : memref<128xf32, #tpu.memory_space<vmem>>, vector<16xf32>,
    %swap3A_20 = vector.shape_cast %swap3A_19 : vector<16xf32> to vector<16xf32>
    %swap3A_21 = vector.shape_cast %broadcast_in_dim3A_3 : vector<16xf32> to vector<16xf32>
    tpu.vector_store %arg12[%swap3A_18], %swap3A_21 {strides = array<i32>} : memref<128xf32, #tpu.memory_space<vmem>>, vector<16xf32>,
    %swap3A_22 = arith.constant 32 : index
    %swap3A_23 = tpu.vector_load %arg12[%swap3A_22] {strides = array<i32>} : memref<128xf32, #tpu.memory_space<vmem>>, vector<16xf32>,
    %swap3A_24 = vector.shape_cast %swap3A_23 : vector<16xf32> to vector<16xf32>
    %swap3A_25 = vector.shape_cast %broadcast_in_dim3A_3 : vector<16xf32> to vector<16xf32>
    tpu.vector_store %arg12[%swap3A_22], %swap3A_25 {strides = array<i32>} : memref<128xf32, #tpu.memory_space<vmem>>, vector<16xf32>,
    %swap3A_26 = arith.constant 48 : index
    %swap3A_27 = tpu.vector_load %arg12[%swap3A_26] {strides = array<i32>} : memref<128xf32, #tpu.memory_space<vmem>>, vector<16xf32>,
    %swap3A_28 = vector.shape_cast %swap3A_27 : vector<16xf32> to vector<16xf32>
    %swap3A_29 = vector.shape_cast %broadcast_in_dim3A_3 : vector<16xf32> to vector<16xf32>
    tpu.vector_store %arg12[%swap3A_26], %swap3A_29 {strides = array<i32>} : memref<128xf32, #tpu.memory_space<vmem>>, vector<16xf32>,
    %swap3A_30 = arith.constant 64 : index
    %swap3A_31 = tpu.vector_load %arg12[%swap3A_30] {strides = array<i32>} : memref<128xf32, #tpu.memory_space<vmem>>, vector<16xf32>,
    %swap3A_32 = vector.shape_cast %swap3A_31 : vector<16xf32> to vector<16xf32>
    %swap3A_33 = vector.shape_cast %broadcast_in_dim3A_3 : vector<16xf32> to vector<16xf32>
    tpu.vector_store %arg12[%swap3A_30], %swap3A_33 {strides = array<i32>} : memref<128xf32, #tpu.memory_space<vmem>>, vector<16xf32>,
    %swap3A_34 = arith.constant 80 : index
    %swap3A_35 = tpu.vector_load %arg12[%swap3A_34] {strides = array<i32>} : memref<128xf32, #tpu.memory_space<vmem>>, vector<16xf32>,
    %swap3A_36 = vector.shape_cast %swap3A_35 : vector<16xf32> to vector<16xf32>
    %swap3A_37 = vector.shape_cast %broadcast_in_dim3A_3 : vector<16xf32> to vector<16xf32>
    tpu.vector_store %arg12[%swap3A_34], %swap3A_37 {strides = array<i32>} : memref<128xf32, #tpu.memory_space<vmem>>, vector<16xf32>,
    %swap3A_38 = arith.constant 96 : index
    %swap3A_39 = tpu.vector_load %arg12[%swap3A_38] {strides = array<i32>} : memref<128xf32, #tpu.memory_space<vmem>>, vector<16xf32>,
    %swap3A_40 = vector.shape_cast %swap3A_39 : vector<16xf32> to vector<16xf32>
    %swap3A_41 = vector.shape_cast %broadcast_in_dim3A_3 : vector<16xf32> to vector<16xf32>
    tpu.vector_store %arg12[%swap3A_38], %swap3A_41 {strides = array<i32>} : memref<128xf32, #tpu.memory_space<vmem>>, vector<16xf32>,
    %swap3A_42 = arith.constant 112 : index
    %swap3A_43 = tpu.vector_load %arg12[%swap3A_42] {strides = array<i32>} : memref<128xf32, #tpu.memory_space<vmem>>, vector<16xf32>,
    %swap3A_44 = vector.shape_cast %swap3A_43 : vector<16xf32> to vector<16xf32>
    %swap3A_45 = vector.shape_cast %broadcast_in_dim3A_3 : vector<16xf32> to vector<16xf32>
    tpu.vector_store %arg12[%swap3A_42], %swap3A_45 {strides = array<i32>} : memref<128xf32, #tpu.memory_space<vmem>>, vector<16xf32>,
    %mul3A_46 = arith.constant 640 : i32
    %mul3A_47 = arith.muli %arg1, %mul3A_46 : i32
    %add3A_48 = arith.constant 0 : i32
    %add3A_49 = arith.addi %mul3A_47, %add3A_48 : i32
    "tpu.region"() ({
      %run_scoped3A = tpu.sem_alloc : memref<!tpu.dma_semaphore, #tpu.memory_space<semaphore_mem>>
      %dma_start3A = arith.constant 0 : i32
      %dma_start3A_116 = tpu.memref_slice %arg6[%add3A_49, %dma_start3A] : memref<10240x128xf32, #tpu.memory_space<vmem_shared>> -> memref<128x128xf32, #tpu.memory_space<vmem_shared>>
      %dma_start3A_117 = arith.constant 0 : i32
      %dma_start3A_118 = tpu.memref_slice %arg6[%add3A_49, %dma_start3A_117] : memref<10240x128xf32, #tpu.memory_space<vmem_shared>> -> memref<128x128xf32, #tpu.memory_space<vmem_shared>>
      tpu.enqueue_dma source(%arg8 : memref<128x128xf32, #tpu.memory_space<vmem>>) target(%dma_start3A_118 : memref<128x128xf32, #tpu.memory_space<vmem_shared>>) target_semaphore(%run_scoped3A : memref<!tpu.dma_semaphore, #tpu.memory_space<semaphore_mem>>)
      %dma_wait3A = arith.constant 0 : i32
      %dma_wait3A_119 = tpu.memref_slice %arg6[%add3A_49, %dma_wait3A] : memref<10240x128xf32, #tpu.memory_space<vmem_shared>> -> memref<128x128xf32, #tpu.memory_space<vmem_shared>>
      %dma_wait3A_120 = arith.constant 0 : i32
      %dma_wait3A_121 = tpu.memref_slice %arg6[%add3A_49, %dma_wait3A_120] : memref<10240x128xf32, #tpu.memory_space<vmem_shared>> -> memref<128x128xf32, #tpu.memory_space<vmem_shared>>
      tpu.wait_dma2 semaphore(%run_scoped3A : memref<!tpu.dma_semaphore, #tpu.memory_space<semaphore_mem>>) src(%arg8 : memref<128x128xf32, #tpu.memory_space<vmem>>) dst(%dma_wait3A_121 : memref<128x128xf32, #tpu.memory_space<vmem_shared>>)
      tpu.yield
    }) : () -> ()
    %add3A_50 = arith.constant 128 : i32
    %add3A_51 = arith.addi %mul3A_47, %add3A_50 : i32
    "tpu.region"() ({
      %run_scoped3A = tpu.sem_alloc : memref<!tpu.dma_semaphore, #tpu.memory_space<semaphore_mem>>
      %dma_start3A = arith.constant 0 : i32
      %dma_start3A_116 = tpu.memref_slice %arg6[%add3A_51, %dma_start3A] : memref<10240x128xf32, #tpu.memory_space<vmem_shared>> -> memref<128x128xf32, #tpu.memory_space<vmem_shared>>
      %dma_start3A_117 = arith.constant 0 : i32
      %dma_start3A_118 = tpu.memref_slice %arg6[%add3A_51, %dma_start3A_117] : memref<10240x128xf32, #tpu.memory_space<vmem_shared>> -> memref<128x128xf32, #tpu.memory_space<vmem_shared>>
      tpu.enqueue_dma source(%arg8 : memref<128x128xf32, #tpu.memory_space<vmem>>) target(%dma_start3A_118 : memref<128x128xf32, #tpu.memory_space<vmem_shared>>) target_semaphore(%run_scoped3A : memref<!tpu.dma_semaphore, #tpu.memory_space<semaphore_mem>>)
      %dma_wait3A = arith.constant 0 : i32
      %dma_wait3A_119 = tpu.memref_slice %arg6[%add3A_51, %dma_wait3A] : memref<10240x128xf32, #tpu.memory_space<vmem_shared>> -> memref<128x128xf32, #tpu.memory_space<vmem_shared>>
      %dma_wait3A_120 = arith.constant 0 : i32
      %dma_wait3A_121 = tpu.memref_slice %arg6[%add3A_51, %dma_wait3A_120] : memref<10240x128xf32, #tpu.memory_space<vmem_shared>> -> memref<128x128xf32, #tpu.memory_space<vmem_shared>>
      tpu.wait_dma2 semaphore(%run_scoped3A : memref<!tpu.dma_semaphore, #tpu.memory_space<semaphore_mem>>) src(%arg8 : memref<128x128xf32, #tpu.memory_space<vmem>>) dst(%dma_wait3A_121 : memref<128x128xf32, #tpu.memory_space<vmem_shared>>)
      tpu.yield
    }) : () -> ()
    %add3A_52 = arith.constant 256 : i32
    %add3A_53 = arith.addi %mul3A_47, %add3A_52 : i32
    "tpu.region"() ({
      %run_scoped3A = tpu.sem_alloc : memref<!tpu.dma_semaphore, #tpu.memory_space<semaphore_mem>>
      %dma_start3A = arith.constant 0 : i32
      %dma_start3A_116 = tpu.memref_slice %arg6[%add3A_53, %dma_start3A] : memref<10240x128xf32, #tpu.memory_space<vmem_shared>> -> memref<128x128xf32, #tpu.memory_space<vmem_shared>>
      %dma_start3A_117 = arith.constant 0 : i32
      %dma_start3A_118 = tpu.memref_slice %arg6[%add3A_53, %dma_start3A_117] : memref<10240x128xf32, #tpu.memory_space<vmem_shared>> -> memref<128x128xf32, #tpu.memory_space<vmem_shared>>
      tpu.enqueue_dma source(%arg8 : memref<128x128xf32, #tpu.memory_space<vmem>>) target(%dma_start3A_118 : memref<128x128xf32, #tpu.memory_space<vmem_shared>>) target_semaphore(%run_scoped3A : memref<!tpu.dma_semaphore, #tpu.memory_space<semaphore_mem>>)
      %dma_wait3A = arith.constant 0 : i32
      %dma_wait3A_119 = tpu.memref_slice %arg6[%add3A_53, %dma_wait3A] : memref<10240x128xf32, #tpu.memory_space<vmem_shared>> -> memref<128x128xf32, #tpu.memory_space<vmem_shared>>
      %dma_wait3A_120 = arith.constant 0 : i32
      %dma_wait3A_121 = tpu.memref_slice %arg6[%add3A_53, %dma_wait3A_120] : memref<10240x128xf32, #tpu.memory_space<vmem_shared>> -> memref<128x128xf32, #tpu.memory_space<vmem_shared>>
      tpu.wait_dma2 semaphore(%run_scoped3A : memref<!tpu.dma_semaphore, #tpu.memory_space<semaphore_mem>>) src(%arg8 : memref<128x128xf32, #tpu.memory_space<vmem>>) dst(%dma_wait3A_121 : memref<128x128xf32, #tpu.memory_space<vmem_shared>>)
      tpu.yield
    }) : () -> ()
    %add3A_54 = arith.constant 384 : i32
    %add3A_55 = arith.addi %mul3A_47, %add3A_54 : i32
    "tpu.region"() ({
      %run_scoped3A = tpu.sem_alloc : memref<!tpu.dma_semaphore, #tpu.memory_space<semaphore_mem>>
      %dma_start3A = arith.constant 0 : i32
      %dma_start3A_116 = tpu.memref_slice %arg6[%add3A_55, %dma_start3A] : memref<10240x128xf32, #tpu.memory_space<vmem_shared>> -> memref<128x128xf32, #tpu.memory_space<vmem_shared>>
      %dma_start3A_117 = arith.constant 0 : i32
      %dma_start3A_118 = tpu.memref_slice %arg6[%add3A_55, %dma_start3A_117] : memref<10240x128xf32, #tpu.memory_space<vmem_shared>> -> memref<128x128xf32, #tpu.memory_space<vmem_shared>>
      tpu.enqueue_dma source(%arg8 : memref<128x128xf32, #tpu.memory_space<vmem>>) target(%dma_start3A_118 : memref<128x128xf32, #tpu.memory_space<vmem_shared>>) target_semaphore(%run_scoped3A : memref<!tpu.dma_semaphore, #tpu.memory_space<semaphore_mem>>)
      %dma_wait3A = arith.constant 0 : i32
      %dma_wait3A_119 = tpu.memref_slice %arg6[%add3A_55, %dma_wait3A] : memref<10240x128xf32, #tpu.memory_space<vmem_shared>> -> memref<128x128xf32, #tpu.memory_space<vmem_shared>>
      %dma_wait3A_120 = arith.constant 0 : i32
      %dma_wait3A_121 = tpu.memref_slice %arg6[%add3A_55, %dma_wait3A_120] : memref<10240x128xf32, #tpu.memory_space<vmem_shared>> -> memref<128x128xf32, #tpu.memory_space<vmem_shared>>
      tpu.wait_dma2 semaphore(%run_scoped3A : memref<!tpu.dma_semaphore, #tpu.memory_space<semaphore_mem>>) src(%arg8 : memref<128x128xf32, #tpu.memory_space<vmem>>) dst(%dma_wait3A_121 : memref<128x128xf32, #tpu.memory_space<vmem_shared>>)
      tpu.yield
    }) : () -> ()
    %add3A_56 = arith.constant 512 : i32
    %add3A_57 = arith.addi %mul3A_47, %add3A_56 : i32
    "tpu.region"() ({
      %run_scoped3A = tpu.sem_alloc : memref<!tpu.dma_semaphore, #tpu.memory_space<semaphore_mem>>
      %dma_start3A = arith.constant 0 : i32
      %dma_start3A_116 = tpu.memref_slice %arg6[%add3A_57, %dma_start3A] : memref<10240x128xf32, #tpu.memory_space<vmem_shared>> -> memref<128x128xf32, #tpu.memory_space<vmem_shared>>
      %dma_start3A_117 = arith.constant 0 : i32
      %dma_start3A_118 = tpu.memref_slice %arg6[%add3A_57, %dma_start3A_117] : memref<10240x128xf32, #tpu.memory_space<vmem_shared>> -> memref<128x128xf32, #tpu.memory_space<vmem_shared>>
      tpu.enqueue_dma source(%arg8 : memref<128x128xf32, #tpu.memory_space<vmem>>) target(%dma_start3A_118 : memref<128x128xf32, #tpu.memory_space<vmem_shared>>) target_semaphore(%run_scoped3A : memref<!tpu.dma_semaphore, #tpu.memory_space<semaphore_mem>>)
      %dma_wait3A = arith.constant 0 : i32
      %dma_wait3A_119 = tpu.memref_slice %arg6[%add3A_57, %dma_wait3A] : memref<10240x128xf32, #tpu.memory_space<vmem_shared>> -> memref<128x128xf32, #tpu.memory_space<vmem_shared>>
      %dma_wait3A_120 = arith.constant 0 : i32
      %dma_wait3A_121 = tpu.memref_slice %arg6[%add3A_57, %dma_wait3A_120] : memref<10240x128xf32, #tpu.memory_space<vmem_shared>> -> memref<128x128xf32, #tpu.memory_space<vmem_shared>>
      tpu.wait_dma2 semaphore(%run_scoped3A : memref<!tpu.dma_semaphore, #tpu.memory_space<semaphore_mem>>) src(%arg8 : memref<128x128xf32, #tpu.memory_space<vmem>>) dst(%dma_wait3A_121 : memref<128x128xf32, #tpu.memory_space<vmem_shared>>)
      tpu.yield
    }) : () -> ()
    "tpu.region"() ({
      %run_scoped3A = tpu.sem_alloc : memref<!tpu.dma_semaphore, #tpu.memory_space<semaphore_mem>>
      %dma_start3A = tpu.memref_slice %arg7[%mul3A_47] : memref<10240xf32, #tpu.memory_space<vmem_shared>> -> memref<640xf32, #tpu.memory_space<vmem_shared>>
      %dma_start3A_116 = tpu.memref_slice %arg7[%mul3A_47] : memref<10240xf32, #tpu.memory_space<vmem_shared>> -> memref<640xf32, #tpu.memory_space<vmem_shared>>
      tpu.enqueue_dma source(%arg13 : memref<640xf32, #tpu.memory_space<vmem>>) target(%dma_start3A_116 : memref<640xf32, #tpu.memory_space<vmem_shared>>) target_semaphore(%run_scoped3A : memref<!tpu.dma_semaphore, #tpu.memory_space<semaphore_mem>>)
      %dma_wait3A = tpu.memref_slice %arg7[%mul3A_47] : memref<10240xf32, #tpu.memory_space<vmem_shared>> -> memref<640xf32, #tpu.memory_space<vmem_shared>>
      %dma_wait3A_117 = tpu.memref_slice %arg7[%mul3A_47] : memref<10240xf32, #tpu.memory_space<vmem_shared>> -> memref<640xf32, #tpu.memory_space<vmem_shared>>
      tpu.wait_dma2 semaphore(%run_scoped3A : memref<!tpu.dma_semaphore, #tpu.memory_space<semaphore_mem>>) src(%arg13 : memref<640xf32, #tpu.memory_space<vmem>>) dst(%dma_wait3A_117 : memref<640xf32, #tpu.memory_space<vmem_shared>>)
      tpu.yield
    }) : () -> ()
    %barrier3A = arith.constant 0 : index
    tpu.barrier barrier_id(%barrier3A)
    %lt3A = arith.constant 1636 : i32
    %lt3A_58 = arith.cmpi slt, %add3A, %lt3A : i32
    %convert_element_type3A = arith.extui %lt3A_58 : i1 to i32
    %cond3A = arith.constant 0 : i32
    %cond3A_59 = arith.cmpi ne, %convert_element_type3A, %cond3A : i32
    scf.if %cond3A_59 {
      %mul3A_116 = arith.constant 128 : i32
      %mul3A_117 = arith.muli %add3A, %mul3A_116 : i32
      %dma_start3A = arith.constant 0 : i32
      %dma_start3A_118 = tpu.memref_slice %arg2[%mul3A_117, %dma_start3A] : memref<320000x128xf32, #tpu.memory_space<hbm>> -> memref<128x128xf32, #tpu.memory_space<hbm>>
      %dma_start3A_119 = arith.constant 0 : i32
      %dma_start3A_120 = tpu.memref_slice %arg2[%mul3A_117, %dma_start3A_119] : memref<320000x128xf32, #tpu.memory_space<hbm>> -> memref<128x128xf32, #tpu.memory_space<hbm>>
      tpu.enqueue_dma source(%dma_start3A_120 : memref<128x128xf32, #tpu.memory_space<hbm>>) target(%arg8 : memref<128x128xf32, #tpu.memory_space<vmem>>) target_semaphore(%arg14 : memref<!tpu.dma_semaphore, #tpu.memory_space<semaphore_mem>>)
      %mul3A_121 = arith.constant 128 : i32
      %mul3A_122 = arith.muli %add3A, %mul3A_121 : i32
      %dma_start3A_123 = tpu.memref_slice %arg3[%mul3A_122] : memref<320000xi32, #tpu.memory_space<hbm>> -> memref<128xi32, #tpu.memory_space<hbm>>
      %dma_start3A_124 = tpu.memref_slice %arg3[%mul3A_122] : memref<320000xi32, #tpu.memory_space<hbm>> -> memref<128xi32, #tpu.memory_space<hbm>>
      tpu.enqueue_dma source(%dma_start3A_124 : memref<128xi32, #tpu.memory_space<hbm>>) target(%arg10 : memref<128xi32, #tpu.memory_space<vmem>>) target_semaphore(%arg16 : memref<!tpu.dma_semaphore, #tpu.memory_space<semaphore_mem>>)
    } else {
    }
    %scan3A_60 = arith.constant 0 : i32
    %scan3A_61 = arith.constant 0 : i32
    %scan3A_62 = arith.constant 26 : i32
    %scan3A_63 = arith.addi %scan3A_61, %scan3A_62 : i32
    %scan3A_64 = arith.constant 1 : i32
    scf.for %scan3A_116 = %scan3A_61 to %scan3A_63 step %scan3A_64  : i32 {
      %mul3A_117 = arith.constant 2 : i32
      %mul3A_118 = arith.muli %mul3A_117, %scan3A_116 : i32
      %add3A_119 = arith.constant 0 : i32
      %add3A_120 = arith.addi %mul3A_118, %add3A_119 : i32
      %mul3A_121 = arith.constant 32 : i32
      %mul3A_122 = arith.muli %add3A_120, %mul3A_121 : i32
      %add3A_123 = arith.addi %add3A, %mul3A_122 : i32
      %lt3A_124 = arith.constant 1636 : i32
      %lt3A_125 = arith.cmpi slt, %add3A_123, %lt3A_124 : i32
      %convert_element_type3A_126 = arith.extui %lt3A_125 : i1 to i32
      %cond3A_127 = arith.constant 0 : i32
      %cond3A_128 = arith.cmpi ne, %convert_element_type3A_126, %cond3A_127 : i32
      scf.if %cond3A_128 {
        %ge3A = arith.constant 1 : i32
        %ge3A_141 = arith.cmpi sge, %add3A_120, %ge3A : i32
        %convert_element_type3A_142 = arith.extui %ge3A_141 : i1 to i32
        %cond3A_143 = arith.constant 0 : i32
        %cond3A_144 = arith.cmpi ne, %convert_element_type3A_142, %cond3A_143 : i32
        scf.if %cond3A_144 {
          %dma_wait3A_162 = arith.constant 0 : i32
          %dma_wait3A_163 = tpu.memref_slice %arg7[%dma_wait3A_162] : memref<10240xf32, #tpu.memory_space<vmem_shared>> -> memref<10240xf32, #tpu.memory_space<vmem_shared>>
          tpu.wait_indirect_dma semaphore(%arg19 : memref<!tpu.dma_semaphore, #tpu.memory_space<semaphore_mem>>) src(%arg12 : memref<128xf32, #tpu.memory_space<vmem>>) dst(%dma_wait3A_163 : memref<10240xf32, #tpu.memory_space<vmem_shared>>)
        } else {
        }
        %add3A_145 = arith.constant 32 : i32
        %add3A_146 = arith.addi %add3A_123, %add3A_145 : i32
        %lt3A_147 = arith.constant 1636 : i32
        %lt3A_148 = arith.cmpi slt, %add3A_146, %lt3A_147 : i32
        %convert_element_type3A_149 = arith.extui %lt3A_148 : i1 to i32
        %cond3A_150 = arith.constant 0 : i32
        %cond3A_151 = arith.cmpi ne, %convert_element_type3A_149, %cond3A_150 : i32
        scf.if %cond3A_151 {
          %mul3A_162 = arith.constant 128 : i32
          %mul3A_163 = arith.muli %add3A_146, %mul3A_162 : i32
          %dma_start3A_164 = arith.constant 0 : i32
          %dma_start3A_165 = tpu.memref_slice %arg2[%mul3A_163, %dma_start3A_164] : memref<320000x128xf32, #tpu.memory_space<hbm>> -> memref<128x128xf32, #tpu.memory_space<hbm>>
          %dma_start3A_166 = arith.constant 0 : i32
          %dma_start3A_167 = tpu.memref_slice %arg2[%mul3A_163, %dma_start3A_166] : memref<320000x128xf32, #tpu.memory_space<hbm>> -> memref<128x128xf32, #tpu.memory_space<hbm>>
          tpu.enqueue_dma source(%dma_start3A_167 : memref<128x128xf32, #tpu.memory_space<hbm>>) target(%arg9 : memref<128x128xf32, #tpu.memory_space<vmem>>) target_semaphore(%arg15 : memref<!tpu.dma_semaphore, #tpu.memory_space<semaphore_mem>>)
          %mul3A_168 = arith.constant 128 : i32
          %mul3A_169 = arith.muli %add3A_146, %mul3A_168 : i32
          %dma_start3A_170 = tpu.memref_slice %arg3[%mul3A_169] : memref<320000xi32, #tpu.memory_space<hbm>> -> memref<128xi32, #tpu.memory_space<hbm>>
          %dma_start3A_171 = tpu.memref_slice %arg3[%mul3A_169] : memref<320000xi32, #tpu.memory_space<hbm>> -> memref<128xi32, #tpu.memory_space<hbm>>
          tpu.enqueue_dma source(%dma_start3A_171 : memref<128xi32, #tpu.memory_space<hbm>>) target(%arg11 : memref<128xi32, #tpu.memory_space<vmem>>) target_semaphore(%arg17 : memref<!tpu.dma_semaphore, #tpu.memory_space<semaphore_mem>>)
        } else {
        }
        %mul3A_152 = arith.constant 128 : i32
        %mul3A_153 = arith.muli %add3A_123, %mul3A_152 : i32
        %dma_wait3A = arith.constant 0 : i32
        %dma_wait3A_154 = tpu.memref_slice %arg2[%mul3A_153, %dma_wait3A] : memref<320000x128xf32, #tpu.memory_space<hbm>> -> memref<128x128xf32, #tpu.memory_space<hbm>>
        %dma_wait3A_155 = arith.constant 0 : i32
        %dma_wait3A_156 = tpu.memref_slice %arg2[%mul3A_153, %dma_wait3A_155] : memref<320000x128xf32, #tpu.memory_space<hbm>> -> memref<128x128xf32, #tpu.memory_space<hbm>>
        tpu.wait_dma2 semaphore(%arg14 : memref<!tpu.dma_semaphore, #tpu.memory_space<semaphore_mem>>) src(%dma_wait3A_156 : memref<128x128xf32, #tpu.memory_space<hbm>>) dst(%arg8 : memref<128x128xf32, #tpu.memory_space<vmem>>)
        %mul3A_157 = arith.constant 128 : i32
        %mul3A_158 = arith.muli %add3A_123, %mul3A_157 : i32
        %dma_wait3A_159 = tpu.memref_slice %arg3[%mul3A_158] : memref<320000xi32, #tpu.memory_space<hbm>> -> memref<128xi32, #tpu.memory_space<hbm>>
        %dma_wait3A_160 = tpu.memref_slice %arg3[%mul3A_158] : memref<320000xi32, #tpu.memory_space<hbm>> -> memref<128xi32, #tpu.memory_space<hbm>>
        tpu.wait_dma2 semaphore(%arg16 : memref<!tpu.dma_semaphore, #tpu.memory_space<semaphore_mem>>) src(%dma_wait3A_160 : memref<128xi32, #tpu.memory_space<hbm>>) dst(%arg10 : memref<128xi32, #tpu.memory_space<vmem>>)
        "tpu.region"() ({
          %run_scoped3A = tpu.sem_alloc : memref<!tpu.dma_semaphore, #tpu.memory_space<semaphore_mem>>
          %dma_start3A_162 = arith.constant 0 : i32
          %dma_start3A_163 = arith.constant 0 : i32
          %dma_start3A_164 = tpu.memref_slice %arg6[%dma_start3A_162, %dma_start3A_163] : memref<10240x128xf32, #tpu.memory_space<vmem_shared>> -> memref<10240x128xf32, #tpu.memory_space<vmem_shared>>
          tpu.enqueue_indirect_dma source(%arg8 : memref<128x128xf32, #tpu.memory_space<vmem>>) target(%dma_start3A_164 : memref<10240x128xf32, #tpu.memory_space<vmem_shared>>) offsets(%arg10 : memref<128xi32, #tpu.memory_space<vmem>>) semaphore(%run_scoped3A : memref<!tpu.dma_semaphore, #tpu.memory_space<semaphore_mem>>) {add = true}
          %dma_wait3A_165 = arith.constant 0 : i32
          %dma_wait3A_166 = arith.constant 0 : i32
          %dma_wait3A_167 = tpu.memref_slice %arg6[%dma_wait3A_165, %dma_wait3A_166] : memref<10240x128xf32, #tpu.memory_space<vmem_shared>> -> memref<10240x128xf32, #tpu.memory_space<vmem_shared>>
          tpu.wait_indirect_dma semaphore(%run_scoped3A : memref<!tpu.dma_semaphore, #tpu.memory_space<semaphore_mem>>) src(%arg8 : memref<128x128xf32, #tpu.memory_space<vmem>>) dst(%dma_wait3A_167 : memref<10240x128xf32, #tpu.memory_space<vmem_shared>>)
          tpu.yield
        }) : () -> ()
        %dma_start3A = arith.constant 0 : i32
        %dma_start3A_161 = tpu.memref_slice %arg7[%dma_start3A] : memref<10240xf32, #tpu.memory_space<vmem_shared>> -> memref<10240xf32, #tpu.memory_space<vmem_shared>>
        tpu.enqueue_indirect_dma source(%arg12 : memref<128xf32, #tpu.memory_space<vmem>>) target(%dma_start3A_161 : memref<10240xf32, #tpu.memory_space<vmem_shared>>) offsets(%arg10 : memref<128xi32, #tpu.memory_space<vmem>>) semaphore(%arg18 : memref<!tpu.dma_semaphore, #tpu.memory_space<semaphore_mem>>) {add = true}
      } else {
      }
      %mul3A_129 = arith.constant 2 : i32
      %mul3A_130 = arith.muli %mul3A_129, %scan3A_116 : i32
      %add3A_131 = arith.constant 1 : i32
      %add3A_132 = arith.addi %mul3A_130, %add3A_131 : i32
      %mul3A_133 = arith.constant 32 : i32
      %mul3A_134 = arith.muli %add3A_132, %mul3A_133 : i32
      %add3A_135 = arith.addi %add3A, %mul3A_134 : i32
      %lt3A_136 = arith.constant 1636 : i32
      %lt3A_137 = arith.cmpi slt, %add3A_135, %lt3A_136 : i32
      %convert_element_type3A_138 = arith.extui %lt3A_137 : i1 to i32
      %cond3A_139 = arith.constant 0 : i32
      %cond3A_140 = arith.cmpi ne, %convert_element_type3A_138, %cond3A_139 : i32
      scf.if %cond3A_140 {
        %ge3A = arith.constant 1 : i32
        %ge3A_141 = arith.cmpi sge, %add3A_132, %ge3A : i32
        %convert_element_type3A_142 = arith.extui %ge3A_141 : i1 to i32
        %cond3A_143 = arith.constant 0 : i32
        %cond3A_144 = arith.cmpi ne, %convert_element_type3A_142, %cond3A_143 : i32
        scf.if %cond3A_144 {
          %dma_wait3A_162 = arith.constant 0 : i32
          %dma_wait3A_163 = tpu.memref_slice %arg7[%dma_wait3A_162] : memref<10240xf32, #tpu.memory_space<vmem_shared>> -> memref<10240xf32, #tpu.memory_space<vmem_shared>>
          tpu.wait_indirect_dma semaphore(%arg18 : memref<!tpu.dma_semaphore, #tpu.memory_space<semaphore_mem>>) src(%arg12 : memref<128xf32, #tpu.memory_space<vmem>>) dst(%dma_wait3A_163 : memref<10240xf32, #tpu.memory_space<vmem_shared>>)
        } else {
        }
        %add3A_145 = arith.constant 32 : i32
        %add3A_146 = arith.addi %add3A_135, %add3A_145 : i32
        %lt3A_147 = arith.constant 1636 : i32
        %lt3A_148 = arith.cmpi slt, %add3A_146, %lt3A_147 : i32
        %convert_element_type3A_149 = arith.extui %lt3A_148 : i1 to i32
        %cond3A_150 = arith.constant 0 : i32
        %cond3A_151 = arith.cmpi ne, %convert_element_type3A_149, %cond3A_150 : i32
        scf.if %cond3A_151 {
          %mul3A_162 = arith.constant 128 : i32
          %mul3A_163 = arith.muli %add3A_146, %mul3A_162 : i32
          %dma_start3A_164 = arith.constant 0 : i32
          %dma_start3A_165 = tpu.memref_slice %arg2[%mul3A_163, %dma_start3A_164] : memref<320000x128xf32, #tpu.memory_space<hbm>> -> memref<128x128xf32, #tpu.memory_space<hbm>>
          %dma_start3A_166 = arith.constant 0 : i32
          %dma_start3A_167 = tpu.memref_slice %arg2[%mul3A_163, %dma_start3A_166] : memref<320000x128xf32, #tpu.memory_space<hbm>> -> memref<128x128xf32, #tpu.memory_space<hbm>>
          tpu.enqueue_dma source(%dma_start3A_167 : memref<128x128xf32, #tpu.memory_space<hbm>>) target(%arg8 : memref<128x128xf32, #tpu.memory_space<vmem>>) target_semaphore(%arg14 : memref<!tpu.dma_semaphore, #tpu.memory_space<semaphore_mem>>)
          %mul3A_168 = arith.constant 128 : i32
          %mul3A_169 = arith.muli %add3A_146, %mul3A_168 : i32
          %dma_start3A_170 = tpu.memref_slice %arg3[%mul3A_169] : memref<320000xi32, #tpu.memory_space<hbm>> -> memref<128xi32, #tpu.memory_space<hbm>>
          %dma_start3A_171 = tpu.memref_slice %arg3[%mul3A_169] : memref<320000xi32, #tpu.memory_space<hbm>> -> memref<128xi32, #tpu.memory_space<hbm>>
          tpu.enqueue_dma source(%dma_start3A_171 : memref<128xi32, #tpu.memory_space<hbm>>) target(%arg10 : memref<128xi32, #tpu.memory_space<vmem>>) target_semaphore(%arg16 : memref<!tpu.dma_semaphore, #tpu.memory_space<semaphore_mem>>)
        } else {
        }
        %mul3A_152 = arith.constant 128 : i32
        %mul3A_153 = arith.muli %add3A_135, %mul3A_152 : i32
        %dma_wait3A = arith.constant 0 : i32
        %dma_wait3A_154 = tpu.memref_slice %arg2[%mul3A_153, %dma_wait3A] : memref<320000x128xf32, #tpu.memory_space<hbm>> -> memref<128x128xf32, #tpu.memory_space<hbm>>
        %dma_wait3A_155 = arith.constant 0 : i32
        %dma_wait3A_156 = tpu.memref_slice %arg2[%mul3A_153, %dma_wait3A_155] : memref<320000x128xf32, #tpu.memory_space<hbm>> -> memref<128x128xf32, #tpu.memory_space<hbm>>
        tpu.wait_dma2 semaphore(%arg15 : memref<!tpu.dma_semaphore, #tpu.memory_space<semaphore_mem>>) src(%dma_wait3A_156 : memref<128x128xf32, #tpu.memory_space<hbm>>) dst(%arg9 : memref<128x128xf32, #tpu.memory_space<vmem>>)
        %mul3A_157 = arith.constant 128 : i32
        %mul3A_158 = arith.muli %add3A_135, %mul3A_157 : i32
        %dma_wait3A_159 = tpu.memref_slice %arg3[%mul3A_158] : memref<320000xi32, #tpu.memory_space<hbm>> -> memref<128xi32, #tpu.memory_space<hbm>>
        %dma_wait3A_160 = tpu.memref_slice %arg3[%mul3A_158] : memref<320000xi32, #tpu.memory_space<hbm>> -> memref<128xi32, #tpu.memory_space<hbm>>
        tpu.wait_dma2 semaphore(%arg17 : memref<!tpu.dma_semaphore, #tpu.memory_space<semaphore_mem>>) src(%dma_wait3A_160 : memref<128xi32, #tpu.memory_space<hbm>>) dst(%arg11 : memref<128xi32, #tpu.memory_space<vmem>>)
        "tpu.region"() ({
          %run_scoped3A = tpu.sem_alloc : memref<!tpu.dma_semaphore, #tpu.memory_space<semaphore_mem>>
          %dma_start3A_162 = arith.constant 0 : i32
          %dma_start3A_163 = arith.constant 0 : i32
          %dma_start3A_164 = tpu.memref_slice %arg6[%dma_start3A_162, %dma_start3A_163] : memref<10240x128xf32, #tpu.memory_space<vmem_shared>> -> memref<10240x128xf32, #tpu.memory_space<vmem_shared>>
          tpu.enqueue_indirect_dma source(%arg9 : memref<128x128xf32, #tpu.memory_space<vmem>>) target(%dma_start3A_164 : memref<10240x128xf32, #tpu.memory_space<vmem_shared>>) offsets(%arg11 : memref<128xi32, #tpu.memory_space<vmem>>) semaphore(%run_scoped3A : memref<!tpu.dma_semaphore, #tpu.memory_space<semaphore_mem>>) {add = true}
          %dma_wait3A_165 = arith.constant 0 : i32
          %dma_wait3A_166 = arith.constant 0 : i32
          %dma_wait3A_167 = tpu.memref_slice %arg6[%dma_wait3A_165, %dma_wait3A_166] : memref<10240x128xf32, #tpu.memory_space<vmem_shared>> -> memref<10240x128xf32, #tpu.memory_space<vmem_shared>>
          tpu.wait_indirect_dma semaphore(%run_scoped3A : memref<!tpu.dma_semaphore, #tpu.memory_space<semaphore_mem>>) src(%arg9 : memref<128x128xf32, #tpu.memory_space<vmem>>) dst(%dma_wait3A_167 : memref<10240x128xf32, #tpu.memory_space<vmem_shared>>)
          tpu.yield
        }) : () -> ()
        %dma_start3A = arith.constant 0 : i32
        %dma_start3A_161 = tpu.memref_slice %arg7[%dma_start3A] : memref<10240xf32, #tpu.memory_space<vmem_shared>> -> memref<10240xf32, #tpu.memory_space<vmem_shared>>
        tpu.enqueue_indirect_dma source(%arg12 : memref<128xf32, #tpu.memory_space<vmem>>) target(%dma_start3A_161 : memref<10240xf32, #tpu.memory_space<vmem_shared>>) offsets(%arg11 : memref<128xi32, #tpu.memory_space<vmem>>) semaphore(%arg19 : memref<!tpu.dma_semaphore, #tpu.memory_space<semaphore_mem>>) {add = true}
      } else {
      }
    }
    %scan3A_65 = arith.constant 26 : i32
    %sub3A = arith.constant 1636 : i32
    %sub3A_66 = arith.subi %sub3A, %add3A : i32
    %add3A_67 = arith.constant 32 : i32
    %add3A_68 = arith.addi %sub3A_66, %add3A_67 : i32
    %sub3A_69 = arith.constant 1 : i32
    %sub3A_70 = arith.subi %add3A_68, %sub3A_69 : i32
    %jit3A = arith.constant 32 : i32
    %div3A = arith.divsi %sub3A_70, %jit3A : i32
    %sign3A = arith.constant 0 : i32
    %sign3A_71 = arith.cmpi sgt, %sub3A_70, %sign3A : i32
    %sign3A_72 = arith.extui %sign3A_71 : i1 to i32
    %sign3A_73 = arith.constant 0 : i32
    %sign3A_74 = arith.cmpi slt, %sub3A_70, %sign3A_73 : i32
    %sign3A_75 = arith.extui %sign3A_74 : i1 to i32
    %sign3A_76 = arith.subi %sign3A_72, %sign3A_75 : i32
    %sign3A_77 = arith.constant 0 : i32
    %sign3A_78 = arith.cmpi sgt, %jit3A, %sign3A_77 : i32
    %sign3A_79 = arith.extui %sign3A_78 : i1 to i32
    %sign3A_80 = arith.constant 0 : i32
    %sign3A_81 = arith.cmpi slt, %jit3A, %sign3A_80 : i32
    %sign3A_82 = arith.extui %sign3A_81 : i1 to i32
    %sign3A_83 = arith.subi %sign3A_79, %sign3A_82 : i32
    %ne3A = arith.cmpi ne, %sign3A_76, %sign3A_83 : i32
    %rem3A = arith.remsi %sub3A_70, %jit3A : i32
    %ne3A_84 = arith.constant 0 : i32
    %ne3A_85 = arith.cmpi ne, %rem3A, %ne3A_84 : i32
    %and3A = arith.andi %ne3A, %ne3A_85 : i1
    %sub3A_86 = arith.constant 1 : i32
    %sub3A_87 = arith.subi %div3A, %sub3A_86 : i32
    %select_n3A = arith.select %and3A, %sub3A_87, %div3A : i32
    %sub3A_88 = arith.constant 1 : i32
    %sub3A_89 = arith.subi %select_n3A, %sub3A_88 : i32
    %jit3A_90 = arith.constant 2 : i32
    %eq3A = arith.constant 0 : i32
    %eq3A_91 = arith.cmpi eq, %jit3A_90, %eq3A : i32
    %jit3A_92 = arith.constant 1 : i32
    %select_n3A_93 = arith.select %eq3A_91, %jit3A_92, %jit3A_90 : i32
    %rem3A_94 = arith.remsi %sub3A_89, %select_n3A_93 : i32
    %ne3A_95 = arith.constant 0 : i32
    %ne3A_96 = arith.cmpi ne, %rem3A_94, %ne3A_95 : i32
    %lt3A_97 = arith.constant 0 : i32
    %lt3A_98 = arith.cmpi slt, %rem3A_94, %lt3A_97 : i32
    %lt3A_99 = arith.constant 0 : i32
    %lt3A_100 = arith.cmpi slt, %select_n3A_93, %lt3A_99 : i32
    %ne3A_101 = arith.xori %lt3A_98, %lt3A_100 : i1
    %and3A_102 = arith.andi %ne3A_101, %ne3A_96 : i1
    %add3A_103 = arith.addi %rem3A_94, %select_n3A_93 : i32
    %select_n3A_104 = arith.select %and3A_102, %add3A_103, %rem3A_94 : i32
    %eq3A_105 = arith.constant 0 : i32
    %eq3A_106 = arith.cmpi eq, %select_n3A_104, %eq3A_105 : i32
    %convert_element_type3A_107 = arith.extui %eq3A_106 : i1 to i32
    %cond3A_108 = arith.constant 0 : i32
    %cond3A_109 = arith.cmpi ne, %convert_element_type3A_107, %cond3A_108 : i32
    scf.if %cond3A_109 {
      %dma_wait3A = arith.constant 0 : i32
      %dma_wait3A_116 = tpu.memref_slice %arg7[%dma_wait3A] : memref<10240xf32, #tpu.memory_space<vmem_shared>> -> memref<10240xf32, #tpu.memory_space<vmem_shared>>
      tpu.wait_indirect_dma semaphore(%arg18 : memref<!tpu.dma_semaphore, #tpu.memory_space<semaphore_mem>>) src(%arg12 : memref<128xf32, #tpu.memory_space<vmem>>) dst(%dma_wait3A_116 : memref<10240xf32, #tpu.memory_space<vmem_shared>>)
    } else {
    }
    %eq3A_110 = arith.constant 1 : i32
    %eq3A_111 = arith.cmpi eq, %select_n3A_104, %eq3A_110 : i32
    %convert_element_type3A_112 = arith.extui %eq3A_111 : i1 to i32
    %cond3A_113 = arith.constant 0 : i32
    %cond3A_114 = arith.cmpi ne, %convert_element_type3A_112, %cond3A_113 : i32
    scf.if %cond3A_114 {
      %dma_wait3A = arith.constant 0 : i32
      %dma_wait3A_116 = tpu.memref_slice %arg7[%dma_wait3A] : memref<10240xf32, #tpu.memory_space<vmem_shared>> -> memref<10240xf32, #tpu.memory_space<vmem_shared>>
      tpu.wait_indirect_dma semaphore(%arg19 : memref<!tpu.dma_semaphore, #tpu.memory_space<semaphore_mem>>) src(%arg12 : memref<128xf32, #tpu.memory_space<vmem>>) dst(%dma_wait3A_116 : memref<10240xf32, #tpu.memory_space<vmem_shared>>)
    } else {
    }
    %barrier3A_115 = arith.constant 0 : index
    tpu.barrier barrier_id(%barrier3A_115)
    "tpu.region"() ({
      %run_scoped3A = tpu.sem_alloc : memref<!tpu.dma_semaphore, #tpu.memory_space<semaphore_mem>>
      %dma_start3A = arith.constant 0 : i32
      %dma_start3A_116 = tpu.memref_slice %arg4[%arg0, %mul3A_47, %dma_start3A] : memref<2x10240x128xf32, #tpu.memory_space<hbm>> -> memref<1x640x128xf32, #tpu.memory_space<hbm>>
      %dma_start3A_117 = tpu.memref_squeeze %dma_start3A_116 : memref<1x640x128xf32, #tpu.memory_space<hbm>> -> memref<640x128xf32, #tpu.memory_space<hbm>>
      %dma_start3A_118 = arith.constant 0 : i32
      %dma_start3A_119 = tpu.memref_slice %arg6[%mul3A_47, %dma_start3A_118] : memref<10240x128xf32, #tpu.memory_space<vmem_shared>> -> memref<640x128xf32, #tpu.memory_space<vmem_shared>>
      tpu.enqueue_dma source(%dma_start3A_119 : memref<640x128xf32, #tpu.memory_space<vmem_shared>>) target(%dma_start3A_117 : memref<640x128xf32, #tpu.memory_space<hbm>>) target_semaphore(%run_scoped3A : memref<!tpu.dma_semaphore, #tpu.memory_space<semaphore_mem>>)
      %dma_wait3A = arith.constant 0 : i32
      %dma_wait3A_120 = tpu.memref_slice %arg4[%arg0, %mul3A_47, %dma_wait3A] : memref<2x10240x128xf32, #tpu.memory_space<hbm>> -> memref<1x640x128xf32, #tpu.memory_space<hbm>>
      %dma_wait3A_121 = tpu.memref_squeeze %dma_wait3A_120 : memref<1x640x128xf32, #tpu.memory_space<hbm>> -> memref<640x128xf32, #tpu.memory_space<hbm>>
      %dma_wait3A_122 = arith.constant 0 : i32
      %dma_wait3A_123 = tpu.memref_slice %arg6[%mul3A_47, %dma_wait3A_122] : memref<10240x128xf32, #tpu.memory_space<vmem_shared>> -> memref<640x128xf32, #tpu.memory_space<vmem_shared>>
      tpu.wait_dma2 semaphore(%run_scoped3A : memref<!tpu.dma_semaphore, #tpu.memory_space<semaphore_mem>>) src(%dma_wait3A_123 : memref<640x128xf32, #tpu.memory_space<vmem_shared>>) dst(%dma_wait3A_121 : memref<640x128xf32, #tpu.memory_space<hbm>>)
      tpu.yield
    }) : () -> ()
    "tpu.region"() ({
      %run_scoped3A = tpu.sem_alloc : memref<!tpu.dma_semaphore, #tpu.memory_space<semaphore_mem>>
      %dma_start3A = tpu.memref_slice %arg5[%arg0, %mul3A_47] : memref<2x10240xf32, #tpu.memory_space<hbm>> -> memref<1x640xf32, #tpu.memory_space<hbm>>
      %dma_start3A_116 = tpu.memref_squeeze %dma_start3A : memref<1x640xf32, #tpu.memory_space<hbm>> -> memref<640xf32, #tpu.memory_space<hbm>>
      %dma_start3A_117 = tpu.memref_slice %arg7[%mul3A_47] : memref<10240xf32, #tpu.memory_space<vmem_shared>> -> memref<640xf32, #tpu.memory_space<vmem_shared>>
      tpu.enqueue_dma source(%dma_start3A_117 : memref<640xf32, #tpu.memory_space<vmem_shared>>) target(%dma_start3A_116 : memref<640xf32, #tpu.memory_space<hbm>>) target_semaphore(%run_scoped3A : memref<!tpu.dma_semaphore, #tpu.memory_space<semaphore_mem>>)
      %dma_wait3A = tpu.memref_slice %arg5[%arg0, %mul3A_47] : memref<2x10240xf32, #tpu.memory_space<hbm>> -> memref<1x640xf32, #tpu.memory_space<hbm>>
      %dma_wait3A_118 = tpu.memref_squeeze %dma_wait3A : memref<1x640xf32, #tpu.memory_space<hbm>> -> memref<640xf32, #tpu.memory_space<hbm>>
      %dma_wait3A_119 = tpu.memref_slice %arg7[%mul3A_47] : memref<10240xf32, #tpu.memory_space<vmem_shared>> -> memref<640xf32, #tpu.memory_space<vmem_shared>>
      tpu.wait_dma2 semaphore(%run_scoped3A : memref<!tpu.dma_semaphore, #tpu.memory_space<semaphore_mem>>) src(%dma_wait3A_119 : memref<640xf32, #tpu.memory_space<vmem_shared>>) dst(%dma_wait3A_118 : memref<640xf32, #tpu.memory_space<hbm>>)
      tpu.yield
    }) : () -> ()
    return
  }
}

module attributes {stable_mosaic.version = 14 : i64} {
  func.func @_merge_body(%arg0: i32, %arg1: memref<2x2000x128xf32, #tpu.memory_space<vmem>>, %arg2: memref<2x2000x1xf32, #tpu.memory_space<vmem>>, %arg3: memref<2000x128xf32, #tpu.memory_space<vmem>>, %arg4: memref<2000x1xf32, #tpu.memory_space<vmem>>, %arg5: memref<2000x128xf32, #tpu.memory_space<vmem>>) attributes {dimension_semantics = [#tpu.dimension_semantics<arbitrary>], iteration_bounds = array<i64: 5>, scalar_prefetch = 0 : i64, scratch_operands = 0 : i64, tpu.core_type = #tpu.core_type<tc>, window_params = [{transform_indices = @transform_0, window_bounds = array<i64: 2, 2000, 128>}, {transform_indices = @transform_1, window_bounds = array<i64: 2, 2000, 1>}, {transform_indices = @transform_2, window_bounds = array<i64: 2000, 128>}, {transform_indices = @transform_3, window_bounds = array<i64: 2000, 1>}, {transform_indices = @transform_4, window_bounds = array<i64: 2000, 128>}]} {
    %get3A = arith.constant 0 : index
    %get3A_0 = arith.constant 0 : index
    %get3A_1 = arith.constant 0 : index
    %get3A_2 = vector.load %arg1[%get3A, %get3A_0, %get3A_1] : memref<2x2000x128xf32, #tpu.memory_space<vmem>>, vector<1x2000x128xf32>
    %get3A_3 = vector.shape_cast %get3A_2 : vector<1x2000x128xf32> to vector<2000x128xf32>
    %get3A_4 = arith.constant 1 : index
    %get3A_5 = arith.constant 0 : index
    %get3A_6 = arith.constant 0 : index
    %get3A_7 = vector.load %arg1[%get3A_4, %get3A_5, %get3A_6] : memref<2x2000x128xf32, #tpu.memory_space<vmem>>, vector<1x2000x128xf32>
    %get3A_8 = vector.shape_cast %get3A_7 : vector<1x2000x128xf32> to vector<2000x128xf32>
    %add3A = arith.addf %get3A_3, %get3A_8 : vector<2000x128xf32>
    %get3A_9 = arith.constant 0 : index
    %get3A_10 = arith.constant 0 : index
    %get3A_11 = vector.load %arg3[%get3A_9, %get3A_10] : memref<2000x128xf32, #tpu.memory_space<vmem>>, vector<2000x128xf32>
    %add3A_12 = arith.addf %add3A, %get3A_11 : vector<2000x128xf32>
    %get3A_13 = arith.constant 0 : index
    %get3A_14 = arith.constant 0 : index
    %get3A_15 = arith.constant 0 : index
    %get3A_16 = vector.load %arg2[%get3A_13, %get3A_14, %get3A_15] : memref<2x2000x1xf32, #tpu.memory_space<vmem>>, vector<1x2000x1xf32>
    %get3A_17 = vector.shape_cast %get3A_16 : vector<1x2000x1xf32> to vector<2000x1xf32>
    %get3A_18 = arith.constant 1 : index
    %get3A_19 = arith.constant 0 : index
    %get3A_20 = arith.constant 0 : index
    %get3A_21 = vector.load %arg2[%get3A_18, %get3A_19, %get3A_20] : memref<2x2000x1xf32, #tpu.memory_space<vmem>>, vector<1x2000x1xf32>
    %get3A_22 = vector.shape_cast %get3A_21 : vector<1x2000x1xf32> to vector<2000x1xf32>
    %add3A_23 = arith.addf %get3A_17, %get3A_22 : vector<2000x1xf32>
    %get3A_24 = arith.constant 0 : index
    %get3A_25 = arith.constant 0 : index
    %get3A_26 = vector.load %arg4[%get3A_24, %get3A_25] : memref<2000x1xf32, #tpu.memory_space<vmem>>, vector<2000x1xf32>
    %add3A_27 = arith.addf %add3A_23, %get3A_26 : vector<2000x1xf32>
    %max3A = arith.constant 1.000000e+00 : f32
    %max3A_28 = vector.broadcast %max3A : f32 to vector<2000x1xf32>
    %max3A_29 = arith.maximumf %add3A_27, %max3A_28 : vector<2000x1xf32>
    %div3A = vector.broadcast %max3A_29 : vector<2000x1xf32> to vector<2000x128xf32>
    %div3A_30 = arith.divf %add3A_12, %div3A : vector<2000x128xf32>
    %swap3A = arith.constant 0 : index
    %swap3A_31 = arith.constant 0 : index
    %swap3A_32 = vector.load %arg5[%swap3A, %swap3A_31] : memref<2000x128xf32, #tpu.memory_space<vmem>>, vector<2000x128xf32>
    tpu.vector_store %arg5[%swap3A, %swap3A_31], %div3A_30 {strides = array<i32>} : memref<2000x128xf32, #tpu.memory_space<vmem>>, vector<2000x128xf32>,
    return
  }
  func.func @transform_0(%arg0: i32) -> (i32, i32, i32) {
    %c0_i32 = arith.constant 0 : i32
    %c0_i32_0 = arith.constant 0 : i32
    %c0_i32_1 = arith.constant 0 : i32
    return %c0_i32, %arg0, %c0_i32_0 : i32, i32, i32
  }
  func.func @transform_1(%arg0: i32) -> (i32, i32, i32) {
    %c0_i32 = arith.constant 0 : i32
    %c0_i32_0 = arith.constant 0 : i32
    %c0_i32_1 = arith.constant 0 : i32
    return %c0_i32, %arg0, %c0_i32_0 : i32, i32, i32
  }
  func.func @transform_2(%arg0: i32) -> (i32, i32) {
    %c0_i32 = arith.constant 0 : i32
    %c0_i32_0 = arith.constant 0 : i32
    return %arg0, %c0_i32 : i32, i32
  }
  func.func @transform_3(%arg0: i32) -> (i32, i32) {
    %c0_i32 = arith.constant 0 : i32
    %c0_i32_0 = arith.constant 0 : i32
    return %arg0, %c0_i32 : i32, i32
  }
  func.func @transform_4(%arg0: i32) -> (i32, i32) {
    %c0_i32 = arith.constant 0 : i32
    %c0_i32_0 = arith.constant 0 : i32
    return %arg0, %c0_i32 : i32, i32
  }
}

module attributes {stable_mosaic.version = 14 : i64} {
  func.func @_tc_body(%arg0: i32, %arg1: memref<160xi32, #tpu.memory_space<smem>>, %arg2: memref<320000x128xf32, #tpu.memory_space<any>>, %arg3: memref<320000xi32, #tpu.memory_space<any>>, %arg4: memref<128x128xf32, #tpu.memory_space<vmem>>, %arg5: memref<128x1xf32, #tpu.memory_space<vmem>>, %arg6: memref<4x2048x128xf32, #tpu.memory_space<vmem>>, %arg7: memref<4x2048xi32, #tpu.memory_space<vmem>>, %arg8: memref<4x!tpu.dma_semaphore, #tpu.memory_space<semaphore_mem>>, %arg9: memref<4x!tpu.dma_semaphore, #tpu.memory_space<semaphore_mem>>) attributes {dimension_semantics = [#tpu.dimension_semantics<arbitrary>], iteration_bounds = array<i64: 80>, scalar_prefetch = 1 : i64, scratch_operands = 4 : i64, tpu.core_type = #tpu.core_type<tc>, window_params = [{}, {}, {transform_indices = @transform_2, window_bounds = array<i64: 128, 128>}, {transform_indices = @transform_3, window_bounds = array<i64: 128, 1>}]} {
    %get3A = arith.index_cast %arg0 : i32 to index
    %get3A_0 = memref.load %arg1[%get3A] : memref<160xi32, #tpu.memory_space<smem>>
    %add3A = arith.constant 80 : i32
    %add3A_1 = arith.addi %add3A, %arg0 : i32
    %get3A_2 = arith.index_cast %add3A_1 : i32 to index
    %get3A_3 = memref.load %arg1[%get3A_2] : memref<160xi32, #tpu.memory_space<smem>>
    %sub3A = arith.subi %get3A_3, %get3A_0 : i32
    %broadcast_in_dim3A = arith.constant 0.000000e+00 : f32
    %broadcast_in_dim3A_4 = vector.broadcast %broadcast_in_dim3A : f32 to vector<128x128xf32>
    %swap3A = arith.constant 0 : index
    %swap3A_5 = arith.constant 0 : index
    %swap3A_6 = vector.load %arg4[%swap3A, %swap3A_5] : memref<128x128xf32, #tpu.memory_space<vmem>>, vector<128x128xf32>
    tpu.vector_store %arg4[%swap3A, %swap3A_5], %broadcast_in_dim3A_4 {strides = array<i32>} : memref<128x128xf32, #tpu.memory_space<vmem>>, vector<128x128xf32>,
    %broadcast_in_dim3A_7 = arith.constant 0.000000e+00 : f32
    %broadcast_in_dim3A_8 = vector.broadcast %broadcast_in_dim3A_7 : f32 to vector<128x1xf32>
    %swap3A_9 = arith.constant 0 : index
    %swap3A_10 = arith.constant 0 : index
    %swap3A_11 = vector.load %arg5[%swap3A_9, %swap3A_10] : memref<128x1xf32, #tpu.memory_space<vmem>>, vector<128x1xf32>
    tpu.vector_store %arg5[%swap3A_9, %swap3A_10], %broadcast_in_dim3A_8 {strides = array<i32>} : memref<128x1xf32, #tpu.memory_space<vmem>>, vector<128x1xf32>,
    %gt3A = arith.constant 0 : i32
    %gt3A_12 = arith.cmpi sgt, %sub3A, %gt3A : i32
    %convert_element_type3A = arith.extui %gt3A_12 : i1 to i32
    %cond3A = arith.constant 0 : i32
    %cond3A_13 = arith.cmpi ne, %convert_element_type3A, %cond3A : i32
    scf.if %cond3A_13 {
      %add3A_57 = arith.constant 0 : i32
      %add3A_58 = arith.addi %get3A_0, %add3A_57 : i32
      %mul3A_59 = arith.constant 2048 : i32
      %mul3A_60 = arith.muli %add3A_58, %mul3A_59 : i32
      %add3A_61 = arith.constant 209408 : i32
      %add3A_62 = arith.addi %add3A_61, %mul3A_60 : i32
      %dma_start3A = arith.constant 0 : i32
      %dma_start3A_63 = arith.constant 0 : i32
      %dma_start3A_64 = tpu.memref_slice %arg8[%dma_start3A_63] : memref<4x!tpu.dma_semaphore, #tpu.memory_space<semaphore_mem>> -> memref<1x!tpu.dma_semaphore, #tpu.memory_space<semaphore_mem>>
      %dma_start3A_65 = tpu.memref_squeeze %dma_start3A_64 : memref<1x!tpu.dma_semaphore, #tpu.memory_space<semaphore_mem>> -> memref<!tpu.dma_semaphore, #tpu.memory_space<semaphore_mem>>
      %dma_start3A_66 = arith.constant 0 : i32
      %dma_start3A_67 = arith.constant 0 : i32
      %dma_start3A_68 = tpu.memref_slice %arg6[%dma_start3A, %dma_start3A_66, %dma_start3A_67] : memref<4x2048x128xf32, #tpu.memory_space<vmem>> -> memref<1x2048x128xf32, #tpu.memory_space<vmem>>
      %dma_start3A_69 = tpu.memref_squeeze %dma_start3A_68 : memref<1x2048x128xf32, #tpu.memory_space<vmem>> -> memref<2048x128xf32, #tpu.memory_space<vmem>>
      %dma_start3A_70 = arith.constant 0 : i32
      %dma_start3A_71 = tpu.memref_slice %arg2[%add3A_62, %dma_start3A_70] : memref<320000x128xf32, #tpu.memory_space<any>> -> memref<2048x128xf32, #tpu.memory_space<any>>
      tpu.enqueue_dma source(%dma_start3A_71 : memref<2048x128xf32, #tpu.memory_space<any>>) target(%dma_start3A_69 : memref<2048x128xf32, #tpu.memory_space<vmem>>) target_semaphore(%dma_start3A_65 : memref<!tpu.dma_semaphore, #tpu.memory_space<semaphore_mem>>)
      %dma_start3A_72 = arith.constant 0 : i32
      %dma_start3A_73 = arith.constant 0 : i32
      %dma_start3A_74 = tpu.memref_slice %arg9[%dma_start3A_73] : memref<4x!tpu.dma_semaphore, #tpu.memory_space<semaphore_mem>> -> memref<1x!tpu.dma_semaphore, #tpu.memory_space<semaphore_mem>>
      %dma_start3A_75 = tpu.memref_squeeze %dma_start3A_74 : memref<1x!tpu.dma_semaphore, #tpu.memory_space<semaphore_mem>> -> memref<!tpu.dma_semaphore, #tpu.memory_space<semaphore_mem>>
      %dma_start3A_76 = arith.constant 0 : i32
      %dma_start3A_77 = tpu.memref_slice %arg7[%dma_start3A_72, %dma_start3A_76] : memref<4x2048xi32, #tpu.memory_space<vmem>> -> memref<1x2048xi32, #tpu.memory_space<vmem>>
      %dma_start3A_78 = tpu.memref_squeeze %dma_start3A_77 : memref<1x2048xi32, #tpu.memory_space<vmem>> -> memref<2048xi32, #tpu.memory_space<vmem>>
      %dma_start3A_79 = tpu.memref_slice %arg3[%add3A_62] : memref<320000xi32, #tpu.memory_space<any>> -> memref<2048xi32, #tpu.memory_space<any>>
      tpu.enqueue_dma source(%dma_start3A_79 : memref<2048xi32, #tpu.memory_space<any>>) target(%dma_start3A_78 : memref<2048xi32, #tpu.memory_space<vmem>>) target_semaphore(%dma_start3A_75 : memref<!tpu.dma_semaphore, #tpu.memory_space<semaphore_mem>>)
    } else {
    }
    %gt3A_14 = arith.constant 1 : i32
    %gt3A_15 = arith.cmpi sgt, %sub3A, %gt3A_14 : i32
    %convert_element_type3A_16 = arith.extui %gt3A_15 : i1 to i32
    %cond3A_17 = arith.constant 0 : i32
    %cond3A_18 = arith.cmpi ne, %convert_element_type3A_16, %cond3A_17 : i32
    scf.if %cond3A_18 {
      %add3A_57 = arith.constant 1 : i32
      %add3A_58 = arith.addi %get3A_0, %add3A_57 : i32
      %mul3A_59 = arith.constant 2048 : i32
      %mul3A_60 = arith.muli %add3A_58, %mul3A_59 : i32
      %add3A_61 = arith.constant 209408 : i32
      %add3A_62 = arith.addi %add3A_61, %mul3A_60 : i32
      %dma_start3A = arith.constant 1 : i32
      %dma_start3A_63 = arith.constant 1 : i32
      %dma_start3A_64 = tpu.memref_slice %arg8[%dma_start3A_63] : memref<4x!tpu.dma_semaphore, #tpu.memory_space<semaphore_mem>> -> memref<1x!tpu.dma_semaphore, #tpu.memory_space<semaphore_mem>>
      %dma_start3A_65 = tpu.memref_squeeze %dma_start3A_64 : memref<1x!tpu.dma_semaphore, #tpu.memory_space<semaphore_mem>> -> memref<!tpu.dma_semaphore, #tpu.memory_space<semaphore_mem>>
      %dma_start3A_66 = arith.constant 0 : i32
      %dma_start3A_67 = arith.constant 0 : i32
      %dma_start3A_68 = tpu.memref_slice %arg6[%dma_start3A, %dma_start3A_66, %dma_start3A_67] : memref<4x2048x128xf32, #tpu.memory_space<vmem>> -> memref<1x2048x128xf32, #tpu.memory_space<vmem>>
      %dma_start3A_69 = tpu.memref_squeeze %dma_start3A_68 : memref<1x2048x128xf32, #tpu.memory_space<vmem>> -> memref<2048x128xf32, #tpu.memory_space<vmem>>
      %dma_start3A_70 = arith.constant 0 : i32
      %dma_start3A_71 = tpu.memref_slice %arg2[%add3A_62, %dma_start3A_70] : memref<320000x128xf32, #tpu.memory_space<any>> -> memref<2048x128xf32, #tpu.memory_space<any>>
      tpu.enqueue_dma source(%dma_start3A_71 : memref<2048x128xf32, #tpu.memory_space<any>>) target(%dma_start3A_69 : memref<2048x128xf32, #tpu.memory_space<vmem>>) target_semaphore(%dma_start3A_65 : memref<!tpu.dma_semaphore, #tpu.memory_space<semaphore_mem>>)
      %dma_start3A_72 = arith.constant 1 : i32
      %dma_start3A_73 = arith.constant 1 : i32
      %dma_start3A_74 = tpu.memref_slice %arg9[%dma_start3A_73] : memref<4x!tpu.dma_semaphore, #tpu.memory_space<semaphore_mem>> -> memref<1x!tpu.dma_semaphore, #tpu.memory_space<semaphore_mem>>
      %dma_start3A_75 = tpu.memref_squeeze %dma_start3A_74 : memref<1x!tpu.dma_semaphore, #tpu.memory_space<semaphore_mem>> -> memref<!tpu.dma_semaphore, #tpu.memory_space<semaphore_mem>>
      %dma_start3A_76 = arith.constant 0 : i32
      %dma_start3A_77 = tpu.memref_slice %arg7[%dma_start3A_72, %dma_start3A_76] : memref<4x2048xi32, #tpu.memory_space<vmem>> -> memref<1x2048xi32, #tpu.memory_space<vmem>>
      %dma_start3A_78 = tpu.memref_squeeze %dma_start3A_77 : memref<1x2048xi32, #tpu.memory_space<vmem>> -> memref<2048xi32, #tpu.memory_space<vmem>>
      %dma_start3A_79 = tpu.memref_slice %arg3[%add3A_62] : memref<320000xi32, #tpu.memory_space<any>> -> memref<2048xi32, #tpu.memory_space<any>>
      tpu.enqueue_dma source(%dma_start3A_79 : memref<2048xi32, #tpu.memory_space<any>>) target(%dma_start3A_78 : memref<2048xi32, #tpu.memory_space<vmem>>) target_semaphore(%dma_start3A_75 : memref<!tpu.dma_semaphore, #tpu.memory_space<semaphore_mem>>)
    } else {
    }
    %gt3A_19 = arith.constant 2 : i32
    %gt3A_20 = arith.cmpi sgt, %sub3A, %gt3A_19 : i32
    %convert_element_type3A_21 = arith.extui %gt3A_20 : i1 to i32
    %cond3A_22 = arith.constant 0 : i32
    %cond3A_23 = arith.cmpi ne, %convert_element_type3A_21, %cond3A_22 : i32
    scf.if %cond3A_23 {
      %add3A_57 = arith.constant 2 : i32
      %add3A_58 = arith.addi %get3A_0, %add3A_57 : i32
      %mul3A_59 = arith.constant 2048 : i32
      %mul3A_60 = arith.muli %add3A_58, %mul3A_59 : i32
      %add3A_61 = arith.constant 209408 : i32
      %add3A_62 = arith.addi %add3A_61, %mul3A_60 : i32
      %dma_start3A = arith.constant 2 : i32
      %dma_start3A_63 = arith.constant 2 : i32
      %dma_start3A_64 = tpu.memref_slice %arg8[%dma_start3A_63] : memref<4x!tpu.dma_semaphore, #tpu.memory_space<semaphore_mem>> -> memref<1x!tpu.dma_semaphore, #tpu.memory_space<semaphore_mem>>
      %dma_start3A_65 = tpu.memref_squeeze %dma_start3A_64 : memref<1x!tpu.dma_semaphore, #tpu.memory_space<semaphore_mem>> -> memref<!tpu.dma_semaphore, #tpu.memory_space<semaphore_mem>>
      %dma_start3A_66 = arith.constant 0 : i32
      %dma_start3A_67 = arith.constant 0 : i32
      %dma_start3A_68 = tpu.memref_slice %arg6[%dma_start3A, %dma_start3A_66, %dma_start3A_67] : memref<4x2048x128xf32, #tpu.memory_space<vmem>> -> memref<1x2048x128xf32, #tpu.memory_space<vmem>>
      %dma_start3A_69 = tpu.memref_squeeze %dma_start3A_68 : memref<1x2048x128xf32, #tpu.memory_space<vmem>> -> memref<2048x128xf32, #tpu.memory_space<vmem>>
      %dma_start3A_70 = arith.constant 0 : i32
      %dma_start3A_71 = tpu.memref_slice %arg2[%add3A_62, %dma_start3A_70] : memref<320000x128xf32, #tpu.memory_space<any>> -> memref<2048x128xf32, #tpu.memory_space<any>>
      tpu.enqueue_dma source(%dma_start3A_71 : memref<2048x128xf32, #tpu.memory_space<any>>) target(%dma_start3A_69 : memref<2048x128xf32, #tpu.memory_space<vmem>>) target_semaphore(%dma_start3A_65 : memref<!tpu.dma_semaphore, #tpu.memory_space<semaphore_mem>>)
      %dma_start3A_72 = arith.constant 2 : i32
      %dma_start3A_73 = arith.constant 2 : i32
      %dma_start3A_74 = tpu.memref_slice %arg9[%dma_start3A_73] : memref<4x!tpu.dma_semaphore, #tpu.memory_space<semaphore_mem>> -> memref<1x!tpu.dma_semaphore, #tpu.memory_space<semaphore_mem>>
      %dma_start3A_75 = tpu.memref_squeeze %dma_start3A_74 : memref<1x!tpu.dma_semaphore, #tpu.memory_space<semaphore_mem>> -> memref<!tpu.dma_semaphore, #tpu.memory_space<semaphore_mem>>
      %dma_start3A_76 = arith.constant 0 : i32
      %dma_start3A_77 = tpu.memref_slice %arg7[%dma_start3A_72, %dma_start3A_76] : memref<4x2048xi32, #tpu.memory_space<vmem>> -> memref<1x2048xi32, #tpu.memory_space<vmem>>
      %dma_start3A_78 = tpu.memref_squeeze %dma_start3A_77 : memref<1x2048xi32, #tpu.memory_space<vmem>> -> memref<2048xi32, #tpu.memory_space<vmem>>
      %dma_start3A_79 = tpu.memref_slice %arg3[%add3A_62] : memref<320000xi32, #tpu.memory_space<any>> -> memref<2048xi32, #tpu.memory_space<any>>
      tpu.enqueue_dma source(%dma_start3A_79 : memref<2048xi32, #tpu.memory_space<any>>) target(%dma_start3A_78 : memref<2048xi32, #tpu.memory_space<vmem>>) target_semaphore(%dma_start3A_75 : memref<!tpu.dma_semaphore, #tpu.memory_space<semaphore_mem>>)
    } else {
    }
    %mul3A = arith.constant 128 : i32
    %mul3A_24 = arith.muli %arg0, %mul3A : i32
    %iota3A = tpu.iota {dimensions = array<i32: 0>} : vector<128x2048xi32>
    %add3A_25 = vector.broadcast %mul3A_24 : i32 to vector<128x2048xi32>
    %add3A_26 = arith.addi %add3A_25, %iota3A : vector<128x2048xi32>
    %add3A_27 = arith.constant 4 : i32
    %add3A_28 = arith.addi %sub3A, %add3A_27 : i32
    %sub3A_29 = arith.constant 1 : i32
    %sub3A_30 = arith.subi %add3A_28, %sub3A_29 : i32
    %jit3A = arith.constant 4 : i32
    %div3A = arith.divsi %sub3A_30, %jit3A : i32
    %sign3A = arith.constant 0 : i32
    %sign3A_31 = arith.cmpi sgt, %sub3A_30, %sign3A : i32
    %sign3A_32 = arith.extui %sign3A_31 : i1 to i32
    %sign3A_33 = arith.constant 0 : i32
    %sign3A_34 = arith.cmpi slt, %sub3A_30, %sign3A_33 : i32
    %sign3A_35 = arith.extui %sign3A_34 : i1 to i32
    %sign3A_36 = arith.subi %sign3A_32, %sign3A_35 : i32
    %sign3A_37 = arith.constant 0 : i32
    %sign3A_38 = arith.cmpi sgt, %jit3A, %sign3A_37 : i32
    %sign3A_39 = arith.extui %sign3A_38 : i1 to i32
    %sign3A_40 = arith.constant 0 : i32
    %sign3A_41 = arith.cmpi slt, %jit3A, %sign3A_40 : i32
    %sign3A_42 = arith.extui %sign3A_41 : i1 to i32
    %sign3A_43 = arith.subi %sign3A_39, %sign3A_42 : i32
    %ne3A = arith.cmpi ne, %sign3A_36, %sign3A_43 : i32
    %rem3A = arith.remsi %sub3A_30, %jit3A : i32
    %ne3A_44 = arith.constant 0 : i32
    %ne3A_45 = arith.cmpi ne, %rem3A, %ne3A_44 : i32
    %and3A = arith.andi %ne3A, %ne3A_45 : i1
    %sub3A_46 = arith.constant 1 : i32
    %sub3A_47 = arith.subi %div3A, %sub3A_46 : i32
    %select_n3A = arith.select %and3A, %sub3A_47, %div3A : i32
    %while3A = arith.constant 0 : i32
    %while3A_48 = arith.constant 0 : i32
    %while3A_49 = arith.subi %select_n3A, %while3A_48 : i32
    %while3A_50 = arith.addi %while3A_48, %while3A_49 : i32
    %while3A_51 = arith.constant 1 : i32
    %while3A_52 = arith.divsi %while3A_49, %while3A_51 : i32
    %while3A_53 = arith.muli %while3A_52, %while3A_51 : i32
    %while3A_54 = arith.addi %while3A_48, %while3A_53 : i32
    %while3A_55 = arith.constant 1 : i32
    scf.for %while3A_57 = %while3A_48 to %while3A_54 step %while3A_55  : i32 {
      %mul3A_58 = arith.constant 4 : i32
      %mul3A_59 = arith.muli %mul3A_58, %while3A_57 : i32
      %add3A_60 = arith.constant 0 : i32
      %add3A_61 = arith.addi %mul3A_59, %add3A_60 : i32
      %lt3A = arith.cmpi slt, %add3A_61, %sub3A : i32
      %convert_element_type3A_62 = arith.extui %lt3A : i1 to i32
      %cond3A_63 = arith.constant 0 : i32
      %cond3A_64 = arith.cmpi ne, %convert_element_type3A_62, %cond3A_63 : i32
      scf.if %cond3A_64 {
        %add3A_89 = arith.constant 4 : i32
        %add3A_90 = arith.addi %add3A_61, %add3A_89 : i32
        %sub3A_91 = arith.constant 1 : i32
        %sub3A_92 = arith.subi %add3A_90, %sub3A_91 : i32
        %lt3A_93 = arith.cmpi slt, %sub3A_92, %sub3A : i32
        %convert_element_type3A_94 = arith.extui %lt3A_93 : i1 to i32
        %cond3A_95 = arith.constant 0 : i32
        %cond3A_96 = arith.cmpi ne, %convert_element_type3A_94, %cond3A_95 : i32
        scf.if %cond3A_96 {
          %add3A_153 = arith.addi %get3A_0, %sub3A_92 : i32
          %mul3A_154 = arith.constant 2048 : i32
          %mul3A_155 = arith.muli %add3A_153, %mul3A_154 : i32
          %add3A_156 = arith.constant 209408 : i32
          %add3A_157 = arith.addi %add3A_156, %mul3A_155 : i32
          %dma_start3A = arith.constant 3 : i32
          %dma_start3A_158 = arith.constant 3 : i32
          %dma_start3A_159 = tpu.memref_slice %arg8[%dma_start3A_158] : memref<4x!tpu.dma_semaphore, #tpu.memory_space<semaphore_mem>> -> memref<1x!tpu.dma_semaphore, #tpu.memory_space<semaphore_mem>>
          %dma_start3A_160 = tpu.memref_squeeze %dma_start3A_159 : memref<1x!tpu.dma_semaphore, #tpu.memory_space<semaphore_mem>> -> memref<!tpu.dma_semaphore, #tpu.memory_space<semaphore_mem>>
          %dma_start3A_161 = arith.constant 0 : i32
          %dma_start3A_162 = arith.constant 0 : i32
          %dma_start3A_163 = tpu.memref_slice %arg6[%dma_start3A, %dma_start3A_161, %dma_start3A_162] : memref<4x2048x128xf32, #tpu.memory_space<vmem>> -> memref<1x2048x128xf32, #tpu.memory_space<vmem>>
          %dma_start3A_164 = tpu.memref_squeeze %dma_start3A_163 : memref<1x2048x128xf32, #tpu.memory_space<vmem>> -> memref<2048x128xf32, #tpu.memory_space<vmem>>
          %dma_start3A_165 = arith.constant 0 : i32
          %dma_start3A_166 = tpu.memref_slice %arg2[%add3A_157, %dma_start3A_165] : memref<320000x128xf32, #tpu.memory_space<any>> -> memref<2048x128xf32, #tpu.memory_space<any>>
          tpu.enqueue_dma source(%dma_start3A_166 : memref<2048x128xf32, #tpu.memory_space<any>>) target(%dma_start3A_164 : memref<2048x128xf32, #tpu.memory_space<vmem>>) target_semaphore(%dma_start3A_160 : memref<!tpu.dma_semaphore, #tpu.memory_space<semaphore_mem>>)
          %dma_start3A_167 = arith.constant 3 : i32
          %dma_start3A_168 = arith.constant 3 : i32
          %dma_start3A_169 = tpu.memref_slice %arg9[%dma_start3A_168] : memref<4x!tpu.dma_semaphore, #tpu.memory_space<semaphore_mem>> -> memref<1x!tpu.dma_semaphore, #tpu.memory_space<semaphore_mem>>
          %dma_start3A_170 = tpu.memref_squeeze %dma_start3A_169 : memref<1x!tpu.dma_semaphore, #tpu.memory_space<semaphore_mem>> -> memref<!tpu.dma_semaphore, #tpu.memory_space<semaphore_mem>>
          %dma_start3A_171 = arith.constant 0 : i32
          %dma_start3A_172 = tpu.memref_slice %arg7[%dma_start3A_167, %dma_start3A_171] : memref<4x2048xi32, #tpu.memory_space<vmem>> -> memref<1x2048xi32, #tpu.memory_space<vmem>>
          %dma_start3A_173 = tpu.memref_squeeze %dma_start3A_172 : memref<1x2048xi32, #tpu.memory_space<vmem>> -> memref<2048xi32, #tpu.memory_space<vmem>>
          %dma_start3A_174 = tpu.memref_slice %arg3[%add3A_157] : memref<320000xi32, #tpu.memory_space<any>> -> memref<2048xi32, #tpu.memory_space<any>>
          tpu.enqueue_dma source(%dma_start3A_174 : memref<2048xi32, #tpu.memory_space<any>>) target(%dma_start3A_173 : memref<2048xi32, #tpu.memory_space<vmem>>) target_semaphore(%dma_start3A_170 : memref<!tpu.dma_semaphore, #tpu.memory_space<semaphore_mem>>)
        } else {
        }
        %add3A_97 = arith.addi %get3A_0, %add3A_61 : i32
        %mul3A_98 = arith.constant 2048 : i32
        %mul3A_99 = arith.muli %add3A_97, %mul3A_98 : i32
        %add3A_100 = arith.constant 209408 : i32
        %add3A_101 = arith.addi %add3A_100, %mul3A_99 : i32
        %dma_wait3A = arith.constant 0 : i32
        %dma_wait3A_102 = arith.constant 0 : i32
        %dma_wait3A_103 = tpu.memref_slice %arg8[%dma_wait3A_102] : memref<4x!tpu.dma_semaphore, #tpu.memory_space<semaphore_mem>> -> memref<1x!tpu.dma_semaphore, #tpu.memory_space<semaphore_mem>>
        %dma_wait3A_104 = tpu.memref_squeeze %dma_wait3A_103 : memref<1x!tpu.dma_semaphore, #tpu.memory_space<semaphore_mem>> -> memref<!tpu.dma_semaphore, #tpu.memory_space<semaphore_mem>>
        %dma_wait3A_105 = arith.constant 0 : i32
        %dma_wait3A_106 = arith.constant 0 : i32
        %dma_wait3A_107 = tpu.memref_slice %arg6[%dma_wait3A, %dma_wait3A_105, %dma_wait3A_106] : memref<4x2048x128xf32, #tpu.memory_space<vmem>> -> memref<1x2048x128xf32, #tpu.memory_space<vmem>>
        %dma_wait3A_108 = tpu.memref_squeeze %dma_wait3A_107 : memref<1x2048x128xf32, #tpu.memory_space<vmem>> -> memref<2048x128xf32, #tpu.memory_space<vmem>>
        %dma_wait3A_109 = arith.constant 0 : i32
        %dma_wait3A_110 = tpu.memref_slice %arg2[%add3A_101, %dma_wait3A_109] : memref<320000x128xf32, #tpu.memory_space<any>> -> memref<2048x128xf32, #tpu.memory_space<any>>
        tpu.wait_dma2 semaphore(%dma_wait3A_104 : memref<!tpu.dma_semaphore, #tpu.memory_space<semaphore_mem>>) src(%dma_wait3A_110 : memref<2048x128xf32, #tpu.memory_space<any>>) dst(%dma_wait3A_108 : memref<2048x128xf32, #tpu.memory_space<vmem>>)
        %dma_wait3A_111 = arith.constant 0 : i32
        %dma_wait3A_112 = arith.constant 0 : i32
        %dma_wait3A_113 = tpu.memref_slice %arg9[%dma_wait3A_112] : memref<4x!tpu.dma_semaphore, #tpu.memory_space<semaphore_mem>> -> memref<1x!tpu.dma_semaphore, #tpu.memory_space<semaphore_mem>>
        %dma_wait3A_114 = tpu.memref_squeeze %dma_wait3A_113 : memref<1x!tpu.dma_semaphore, #tpu.memory_space<semaphore_mem>> -> memref<!tpu.dma_semaphore, #tpu.memory_space<semaphore_mem>>
        %dma_wait3A_115 = arith.constant 0 : i32
        %dma_wait3A_116 = tpu.memref_slice %arg7[%dma_wait3A_111, %dma_wait3A_115] : memref<4x2048xi32, #tpu.memory_space<vmem>> -> memref<1x2048xi32, #tpu.memory_space<vmem>>
        %dma_wait3A_117 = tpu.memref_squeeze %dma_wait3A_116 : memref<1x2048xi32, #tpu.memory_space<vmem>> -> memref<2048xi32, #tpu.memory_space<vmem>>
        %dma_wait3A_118 = tpu.memref_slice %arg3[%add3A_101] : memref<320000xi32, #tpu.memory_space<any>> -> memref<2048xi32, #tpu.memory_space<any>>
        tpu.wait_dma2 semaphore(%dma_wait3A_114 : memref<!tpu.dma_semaphore, #tpu.memory_space<semaphore_mem>>) src(%dma_wait3A_118 : memref<2048xi32, #tpu.memory_space<any>>) dst(%dma_wait3A_117 : memref<2048xi32, #tpu.memory_space<vmem>>)
        %get3A_119 = arith.constant 0 : index
        %get3A_120 = arith.constant 0 : index
        %get3A_121 = vector.load %arg7[%get3A_119, %get3A_120] : memref<4x2048xi32, #tpu.memory_space<vmem>>, vector<1x2048xi32>
        %get3A_122 = vector.shape_cast %get3A_121 : vector<1x2048xi32> to vector<2048xi32>
        %reshape3A = vector.shape_cast %get3A_122 : vector<2048xi32> to vector<1x2048xi32>
        %eq3A = vector.broadcast %reshape3A : vector<1x2048xi32> to vector<128x2048xi32>
        %eq3A_123 = arith.cmpi eq, %add3A_26, %eq3A : vector<128x2048xi32>
        %convert_element_type3A_124 = arith.extui %eq3A_123 : vector<128x2048xi1> to vector<128x2048xi32>
        %convert_element_type3A_125 = arith.sitofp %convert_element_type3A_124 : vector<128x2048xi32> to vector<128x2048xf32>
        %get3A_126 = arith.constant 0 : index
        %get3A_127 = arith.constant 0 : index
        %get3A_128 = arith.constant 0 : index
        %get3A_129 = vector.load %arg6[%get3A_126, %get3A_127, %get3A_128] : memref<4x2048x128xf32, #tpu.memory_space<vmem>>, vector<1x2048x128xf32>
        %get3A_130 = vector.shape_cast %get3A_129 : vector<1x2048x128xf32> to vector<2048x128xf32>
        %convert_element_type3A_131 = arith.truncf %get3A_130 : vector<2048x128xf32> to vector<2048x128xbf16>
        %convert_element_type3A_132 = arith.extf %convert_element_type3A_131 : vector<2048x128xbf16> to vector<2048x128xf32>
        %sub3A_133 = arith.subf %get3A_130, %convert_element_type3A_132 : vector<2048x128xf32>
        %concatenate3A = tpu.concatenate %convert_element_type3A_132, %sub3A_133 in 1 : vector<2048x128xf32>, vector<2048x128xf32> -> vector<2048x256xf32>
        %dot_general3A = arith.constant dense<0.000000e+00> : vector<128x256xf32>
        %dot_general3A_134 = tpu.matmul %convert_element_type3A_125, %concatenate3A, %dot_general3A {dimension_numbers = #tpu.dot_dimension_numbers<[1], [0], [0], [1], [0, 0, 1, 1], [], []>, transpose_lhs_hint = false} : vector<128x2048xf32>, vector<2048x256xf32>, vector<128x256xf32> -> vector<128x256xf32>
        %get3A_135 = arith.constant 0 : index
        %get3A_136 = arith.constant 0 : index
        %get3A_137 = vector.load %arg4[%get3A_135, %get3A_136] : memref<128x128xf32, #tpu.memory_space<vmem>>, vector<128x128xf32>
        %slice3A = vector.extract_strided_slice %dot_general3A_134 {offsets = [0, 0], sizes = [128, 128], strides = [1, 1]} : vector<128x256xf32> to vector<128x128xf32>
        %slice3A_138 = vector.extract_strided_slice %dot_general3A_134 {offsets = [0, 128], sizes = [128, 128], strides = [1, 1]} : vector<128x256xf32> to vector<128x128xf32>
        %add3A_139 = arith.addf %slice3A, %slice3A_138 : vector<128x128xf32>
        %add3A_140 = arith.addf %get3A_137, %add3A_139 : vector<128x128xf32>
        %swap3A_141 = arith.constant 0 : index
        %swap3A_142 = arith.constant 0 : index
        %swap3A_143 = vector.load %arg4[%swap3A_141, %swap3A_142] : memref<128x128xf32, #tpu.memory_space<vmem>>, vector<128x128xf32>
        tpu.vector_store %arg4[%swap3A_141, %swap3A_142], %add3A_140 {strides = array<i32>} : memref<128x128xf32, #tpu.memory_space<vmem>>, vector<128x128xf32>,
        %get3A_144 = arith.constant 0 : index
        %get3A_145 = arith.constant 0 : index
        %get3A_146 = vector.load %arg5[%get3A_144, %get3A_145] : memref<128x1xf32, #tpu.memory_space<vmem>>, vector<128x1xf32>
        %reduce_sum3A = arith.constant dense<0.000000e+00> : vector<128xf32>
        %reduce_sum3A_147 = vector.multi_reduction <add>, %convert_element_type3A_125, %reduce_sum3A [1] : vector<128x2048xf32> to vector<128xf32>
        %broadcast_in_dim3A_148 = vector.shape_cast %reduce_sum3A_147 : vector<128xf32> to vector<128x1xf32>
        %add3A_149 = arith.addf %get3A_146, %broadcast_in_dim3A_148 : vector<128x1xf32>
        %swap3A_150 = arith.constant 0 : index
        %swap3A_151 = arith.constant 0 : index
        %swap3A_152 = vector.load %arg5[%swap3A_150, %swap3A_151] : memref<128x1xf32, #tpu.memory_space<vmem>>, vector<128x1xf32>
        tpu.vector_store %arg5[%swap3A_150, %swap3A_151], %add3A_149 {strides = array<i32>} : memref<128x1xf32, #tpu.memory_space<vmem>>, vector<128x1xf32>,
      } else {
      }
      %mul3A_65 = arith.constant 4 : i32
      %mul3A_66 = arith.muli %mul3A_65, %while3A_57 : i32
      %add3A_67 = arith.constant 1 : i32
      %add3A_68 = arith.addi %mul3A_66, %add3A_67 : i32
      %lt3A_69 = arith.cmpi slt, %add3A_68, %sub3A : i32
      %convert_element_type3A_70 = arith.extui %lt3A_69 : i1 to i32
      %cond3A_71 = arith.constant 0 : i32
      %cond3A_72 = arith.cmpi ne, %convert_element_type3A_70, %cond3A_71 : i32
      scf.if %cond3A_72 {
        %add3A_89 = arith.constant 4 : i32
        %add3A_90 = arith.addi %add3A_68, %add3A_89 : i32
        %sub3A_91 = arith.constant 1 : i32
        %sub3A_92 = arith.subi %add3A_90, %sub3A_91 : i32
        %lt3A_93 = arith.cmpi slt, %sub3A_92, %sub3A : i32
        %convert_element_type3A_94 = arith.extui %lt3A_93 : i1 to i32
        %cond3A_95 = arith.constant 0 : i32
        %cond3A_96 = arith.cmpi ne, %convert_element_type3A_94, %cond3A_95 : i32
        scf.if %cond3A_96 {
          %add3A_153 = arith.addi %get3A_0, %sub3A_92 : i32
          %mul3A_154 = arith.constant 2048 : i32
          %mul3A_155 = arith.muli %add3A_153, %mul3A_154 : i32
          %add3A_156 = arith.constant 209408 : i32
          %add3A_157 = arith.addi %add3A_156, %mul3A_155 : i32
          %dma_start3A = arith.constant 0 : i32
          %dma_start3A_158 = arith.constant 0 : i32
          %dma_start3A_159 = tpu.memref_slice %arg8[%dma_start3A_158] : memref<4x!tpu.dma_semaphore, #tpu.memory_space<semaphore_mem>> -> memref<1x!tpu.dma_semaphore, #tpu.memory_space<semaphore_mem>>
          %dma_start3A_160 = tpu.memref_squeeze %dma_start3A_159 : memref<1x!tpu.dma_semaphore, #tpu.memory_space<semaphore_mem>> -> memref<!tpu.dma_semaphore, #tpu.memory_space<semaphore_mem>>
          %dma_start3A_161 = arith.constant 0 : i32
          %dma_start3A_162 = arith.constant 0 : i32
          %dma_start3A_163 = tpu.memref_slice %arg6[%dma_start3A, %dma_start3A_161, %dma_start3A_162] : memref<4x2048x128xf32, #tpu.memory_space<vmem>> -> memref<1x2048x128xf32, #tpu.memory_space<vmem>>
          %dma_start3A_164 = tpu.memref_squeeze %dma_start3A_163 : memref<1x2048x128xf32, #tpu.memory_space<vmem>> -> memref<2048x128xf32, #tpu.memory_space<vmem>>
          %dma_start3A_165 = arith.constant 0 : i32
          %dma_start3A_166 = tpu.memref_slice %arg2[%add3A_157, %dma_start3A_165] : memref<320000x128xf32, #tpu.memory_space<any>> -> memref<2048x128xf32, #tpu.memory_space<any>>
          tpu.enqueue_dma source(%dma_start3A_166 : memref<2048x128xf32, #tpu.memory_space<any>>) target(%dma_start3A_164 : memref<2048x128xf32, #tpu.memory_space<vmem>>) target_semaphore(%dma_start3A_160 : memref<!tpu.dma_semaphore, #tpu.memory_space<semaphore_mem>>)
          %dma_start3A_167 = arith.constant 0 : i32
          %dma_start3A_168 = arith.constant 0 : i32
          %dma_start3A_169 = tpu.memref_slice %arg9[%dma_start3A_168] : memref<4x!tpu.dma_semaphore, #tpu.memory_space<semaphore_mem>> -> memref<1x!tpu.dma_semaphore, #tpu.memory_space<semaphore_mem>>
          %dma_start3A_170 = tpu.memref_squeeze %dma_start3A_169 : memref<1x!tpu.dma_semaphore, #tpu.memory_space<semaphore_mem>> -> memref<!tpu.dma_semaphore, #tpu.memory_space<semaphore_mem>>
          %dma_start3A_171 = arith.constant 0 : i32
          %dma_start3A_172 = tpu.memref_slice %arg7[%dma_start3A_167, %dma_start3A_171] : memref<4x2048xi32, #tpu.memory_space<vmem>> -> memref<1x2048xi32, #tpu.memory_space<vmem>>
          %dma_start3A_173 = tpu.memref_squeeze %dma_start3A_172 : memref<1x2048xi32, #tpu.memory_space<vmem>> -> memref<2048xi32, #tpu.memory_space<vmem>>
          %dma_start3A_174 = tpu.memref_slice %arg3[%add3A_157] : memref<320000xi32, #tpu.memory_space<any>> -> memref<2048xi32, #tpu.memory_space<any>>
          tpu.enqueue_dma source(%dma_start3A_174 : memref<2048xi32, #tpu.memory_space<any>>) target(%dma_start3A_173 : memref<2048xi32, #tpu.memory_space<vmem>>) target_semaphore(%dma_start3A_170 : memref<!tpu.dma_semaphore, #tpu.memory_space<semaphore_mem>>)
        } else {
        }
        %add3A_97 = arith.addi %get3A_0, %add3A_68 : i32
        %mul3A_98 = arith.constant 2048 : i32
        %mul3A_99 = arith.muli %add3A_97, %mul3A_98 : i32
        %add3A_100 = arith.constant 209408 : i32
        %add3A_101 = arith.addi %add3A_100, %mul3A_99 : i32
        %dma_wait3A = arith.constant 1 : i32
        %dma_wait3A_102 = arith.constant 1 : i32
        %dma_wait3A_103 = tpu.memref_slice %arg8[%dma_wait3A_102] : memref<4x!tpu.dma_semaphore, #tpu.memory_space<semaphore_mem>> -> memref<1x!tpu.dma_semaphore, #tpu.memory_space<semaphore_mem>>
        %dma_wait3A_104 = tpu.memref_squeeze %dma_wait3A_103 : memref<1x!tpu.dma_semaphore, #tpu.memory_space<semaphore_mem>> -> memref<!tpu.dma_semaphore, #tpu.memory_space<semaphore_mem>>
        %dma_wait3A_105 = arith.constant 0 : i32
        %dma_wait3A_106 = arith.constant 0 : i32
        %dma_wait3A_107 = tpu.memref_slice %arg6[%dma_wait3A, %dma_wait3A_105, %dma_wait3A_106] : memref<4x2048x128xf32, #tpu.memory_space<vmem>> -> memref<1x2048x128xf32, #tpu.memory_space<vmem>>
        %dma_wait3A_108 = tpu.memref_squeeze %dma_wait3A_107 : memref<1x2048x128xf32, #tpu.memory_space<vmem>> -> memref<2048x128xf32, #tpu.memory_space<vmem>>
        %dma_wait3A_109 = arith.constant 0 : i32
        %dma_wait3A_110 = tpu.memref_slice %arg2[%add3A_101, %dma_wait3A_109] : memref<320000x128xf32, #tpu.memory_space<any>> -> memref<2048x128xf32, #tpu.memory_space<any>>
        tpu.wait_dma2 semaphore(%dma_wait3A_104 : memref<!tpu.dma_semaphore, #tpu.memory_space<semaphore_mem>>) src(%dma_wait3A_110 : memref<2048x128xf32, #tpu.memory_space<any>>) dst(%dma_wait3A_108 : memref<2048x128xf32, #tpu.memory_space<vmem>>)
        %dma_wait3A_111 = arith.constant 1 : i32
        %dma_wait3A_112 = arith.constant 1 : i32
        %dma_wait3A_113 = tpu.memref_slice %arg9[%dma_wait3A_112] : memref<4x!tpu.dma_semaphore, #tpu.memory_space<semaphore_mem>> -> memref<1x!tpu.dma_semaphore, #tpu.memory_space<semaphore_mem>>
        %dma_wait3A_114 = tpu.memref_squeeze %dma_wait3A_113 : memref<1x!tpu.dma_semaphore, #tpu.memory_space<semaphore_mem>> -> memref<!tpu.dma_semaphore, #tpu.memory_space<semaphore_mem>>
        %dma_wait3A_115 = arith.constant 0 : i32
        %dma_wait3A_116 = tpu.memref_slice %arg7[%dma_wait3A_111, %dma_wait3A_115] : memref<4x2048xi32, #tpu.memory_space<vmem>> -> memref<1x2048xi32, #tpu.memory_space<vmem>>
        %dma_wait3A_117 = tpu.memref_squeeze %dma_wait3A_116 : memref<1x2048xi32, #tpu.memory_space<vmem>> -> memref<2048xi32, #tpu.memory_space<vmem>>
        %dma_wait3A_118 = tpu.memref_slice %arg3[%add3A_101] : memref<320000xi32, #tpu.memory_space<any>> -> memref<2048xi32, #tpu.memory_space<any>>
        tpu.wait_dma2 semaphore(%dma_wait3A_114 : memref<!tpu.dma_semaphore, #tpu.memory_space<semaphore_mem>>) src(%dma_wait3A_118 : memref<2048xi32, #tpu.memory_space<any>>) dst(%dma_wait3A_117 : memref<2048xi32, #tpu.memory_space<vmem>>)
        %get3A_119 = arith.constant 1 : index
        %get3A_120 = arith.constant 0 : index
        %get3A_121 = vector.load %arg7[%get3A_119, %get3A_120] : memref<4x2048xi32, #tpu.memory_space<vmem>>, vector<1x2048xi32>
        %get3A_122 = vector.shape_cast %get3A_121 : vector<1x2048xi32> to vector<2048xi32>
        %reshape3A = vector.shape_cast %get3A_122 : vector<2048xi32> to vector<1x2048xi32>
        %eq3A = vector.broadcast %reshape3A : vector<1x2048xi32> to vector<128x2048xi32>
        %eq3A_123 = arith.cmpi eq, %add3A_26, %eq3A : vector<128x2048xi32>
        %convert_element_type3A_124 = arith.extui %eq3A_123 : vector<128x2048xi1> to vector<128x2048xi32>
        %convert_element_type3A_125 = arith.sitofp %convert_element_type3A_124 : vector<128x2048xi32> to vector<128x2048xf32>
        %get3A_126 = arith.constant 1 : index
        %get3A_127 = arith.constant 0 : index
        %get3A_128 = arith.constant 0 : index
        %get3A_129 = vector.load %arg6[%get3A_126, %get3A_127, %get3A_128] : memref<4x2048x128xf32, #tpu.memory_space<vmem>>, vector<1x2048x128xf32>
        %get3A_130 = vector.shape_cast %get3A_129 : vector<1x2048x128xf32> to vector<2048x128xf32>
        %convert_element_type3A_131 = arith.truncf %get3A_130 : vector<2048x128xf32> to vector<2048x128xbf16>
        %convert_element_type3A_132 = arith.extf %convert_element_type3A_131 : vector<2048x128xbf16> to vector<2048x128xf32>
        %sub3A_133 = arith.subf %get3A_130, %convert_element_type3A_132 : vector<2048x128xf32>
        %concatenate3A = tpu.concatenate %convert_element_type3A_132, %sub3A_133 in 1 : vector<2048x128xf32>, vector<2048x128xf32> -> vector<2048x256xf32>
        %dot_general3A = arith.constant dense<0.000000e+00> : vector<128x256xf32>
        %dot_general3A_134 = tpu.matmul %convert_element_type3A_125, %concatenate3A, %dot_general3A {dimension_numbers = #tpu.dot_dimension_numbers<[1], [0], [0], [1], [0, 0, 1, 1], [], []>, transpose_lhs_hint = false} : vector<128x2048xf32>, vector<2048x256xf32>, vector<128x256xf32> -> vector<128x256xf32>
        %get3A_135 = arith.constant 0 : index
        %get3A_136 = arith.constant 0 : index
        %get3A_137 = vector.load %arg4[%get3A_135, %get3A_136] : memref<128x128xf32, #tpu.memory_space<vmem>>, vector<128x128xf32>
        %slice3A = vector.extract_strided_slice %dot_general3A_134 {offsets = [0, 0], sizes = [128, 128], strides = [1, 1]} : vector<128x256xf32> to vector<128x128xf32>
        %slice3A_138 = vector.extract_strided_slice %dot_general3A_134 {offsets = [0, 128], sizes = [128, 128], strides = [1, 1]} : vector<128x256xf32> to vector<128x128xf32>
        %add3A_139 = arith.addf %slice3A, %slice3A_138 : vector<128x128xf32>
        %add3A_140 = arith.addf %get3A_137, %add3A_139 : vector<128x128xf32>
        %swap3A_141 = arith.constant 0 : index
        %swap3A_142 = arith.constant 0 : index
        %swap3A_143 = vector.load %arg4[%swap3A_141, %swap3A_142] : memref<128x128xf32, #tpu.memory_space<vmem>>, vector<128x128xf32>
        tpu.vector_store %arg4[%swap3A_141, %swap3A_142], %add3A_140 {strides = array<i32>} : memref<128x128xf32, #tpu.memory_space<vmem>>, vector<128x128xf32>,
        %get3A_144 = arith.constant 0 : index
        %get3A_145 = arith.constant 0 : index
        %get3A_146 = vector.load %arg5[%get3A_144, %get3A_145] : memref<128x1xf32, #tpu.memory_space<vmem>>, vector<128x1xf32>
        %reduce_sum3A = arith.constant dense<0.000000e+00> : vector<128xf32>
        %reduce_sum3A_147 = vector.multi_reduction <add>, %convert_element_type3A_125, %reduce_sum3A [1] : vector<128x2048xf32> to vector<128xf32>
        %broadcast_in_dim3A_148 = vector.shape_cast %reduce_sum3A_147 : vector<128xf32> to vector<128x1xf32>
        %add3A_149 = arith.addf %get3A_146, %broadcast_in_dim3A_148 : vector<128x1xf32>
        %swap3A_150 = arith.constant 0 : index
        %swap3A_151 = arith.constant 0 : index
        %swap3A_152 = vector.load %arg5[%swap3A_150, %swap3A_151] : memref<128x1xf32, #tpu.memory_space<vmem>>, vector<128x1xf32>
        tpu.vector_store %arg5[%swap3A_150, %swap3A_151], %add3A_149 {strides = array<i32>} : memref<128x1xf32, #tpu.memory_space<vmem>>, vector<128x1xf32>,
      } else {
      }
      %mul3A_73 = arith.constant 4 : i32
      %mul3A_74 = arith.muli %mul3A_73, %while3A_57 : i32
      %add3A_75 = arith.constant 2 : i32
      %add3A_76 = arith.addi %mul3A_74, %add3A_75 : i32
      %lt3A_77 = arith.cmpi slt, %add3A_76, %sub3A : i32
      %convert_element_type3A_78 = arith.extui %lt3A_77 : i1 to i32
      %cond3A_79 = arith.constant 0 : i32
      %cond3A_80 = arith.cmpi ne, %convert_element_type3A_78, %cond3A_79 : i32
      scf.if %cond3A_80 {
        %add3A_89 = arith.constant 4 : i32
        %add3A_90 = arith.addi %add3A_76, %add3A_89 : i32
        %sub3A_91 = arith.constant 1 : i32
        %sub3A_92 = arith.subi %add3A_90, %sub3A_91 : i32
        %lt3A_93 = arith.cmpi slt, %sub3A_92, %sub3A : i32
        %convert_element_type3A_94 = arith.extui %lt3A_93 : i1 to i32
        %cond3A_95 = arith.constant 0 : i32
        %cond3A_96 = arith.cmpi ne, %convert_element_type3A_94, %cond3A_95 : i32
        scf.if %cond3A_96 {
          %add3A_153 = arith.addi %get3A_0, %sub3A_92 : i32
          %mul3A_154 = arith.constant 2048 : i32
          %mul3A_155 = arith.muli %add3A_153, %mul3A_154 : i32
          %add3A_156 = arith.constant 209408 : i32
          %add3A_157 = arith.addi %add3A_156, %mul3A_155 : i32
          %dma_start3A = arith.constant 1 : i32
          %dma_start3A_158 = arith.constant 1 : i32
          %dma_start3A_159 = tpu.memref_slice %arg8[%dma_start3A_158] : memref<4x!tpu.dma_semaphore, #tpu.memory_space<semaphore_mem>> -> memref<1x!tpu.dma_semaphore, #tpu.memory_space<semaphore_mem>>
          %dma_start3A_160 = tpu.memref_squeeze %dma_start3A_159 : memref<1x!tpu.dma_semaphore, #tpu.memory_space<semaphore_mem>> -> memref<!tpu.dma_semaphore, #tpu.memory_space<semaphore_mem>>
          %dma_start3A_161 = arith.constant 0 : i32
          %dma_start3A_162 = arith.constant 0 : i32
          %dma_start3A_163 = tpu.memref_slice %arg6[%dma_start3A, %dma_start3A_161, %dma_start3A_162] : memref<4x2048x128xf32, #tpu.memory_space<vmem>> -> memref<1x2048x128xf32, #tpu.memory_space<vmem>>
          %dma_start3A_164 = tpu.memref_squeeze %dma_start3A_163 : memref<1x2048x128xf32, #tpu.memory_space<vmem>> -> memref<2048x128xf32, #tpu.memory_space<vmem>>
          %dma_start3A_165 = arith.constant 0 : i32
          %dma_start3A_166 = tpu.memref_slice %arg2[%add3A_157, %dma_start3A_165] : memref<320000x128xf32, #tpu.memory_space<any>> -> memref<2048x128xf32, #tpu.memory_space<any>>
          tpu.enqueue_dma source(%dma_start3A_166 : memref<2048x128xf32, #tpu.memory_space<any>>) target(%dma_start3A_164 : memref<2048x128xf32, #tpu.memory_space<vmem>>) target_semaphore(%dma_start3A_160 : memref<!tpu.dma_semaphore, #tpu.memory_space<semaphore_mem>>)
          %dma_start3A_167 = arith.constant 1 : i32
          %dma_start3A_168 = arith.constant 1 : i32
          %dma_start3A_169 = tpu.memref_slice %arg9[%dma_start3A_168] : memref<4x!tpu.dma_semaphore, #tpu.memory_space<semaphore_mem>> -> memref<1x!tpu.dma_semaphore, #tpu.memory_space<semaphore_mem>>
          %dma_start3A_170 = tpu.memref_squeeze %dma_start3A_169 : memref<1x!tpu.dma_semaphore, #tpu.memory_space<semaphore_mem>> -> memref<!tpu.dma_semaphore, #tpu.memory_space<semaphore_mem>>
          %dma_start3A_171 = arith.constant 0 : i32
          %dma_start3A_172 = tpu.memref_slice %arg7[%dma_start3A_167, %dma_start3A_171] : memref<4x2048xi32, #tpu.memory_space<vmem>> -> memref<1x2048xi32, #tpu.memory_space<vmem>>
          %dma_start3A_173 = tpu.memref_squeeze %dma_start3A_172 : memref<1x2048xi32, #tpu.memory_space<vmem>> -> memref<2048xi32, #tpu.memory_space<vmem>>
          %dma_start3A_174 = tpu.memref_slice %arg3[%add3A_157] : memref<320000xi32, #tpu.memory_space<any>> -> memref<2048xi32, #tpu.memory_space<any>>
          tpu.enqueue_dma source(%dma_start3A_174 : memref<2048xi32, #tpu.memory_space<any>>) target(%dma_start3A_173 : memref<2048xi32, #tpu.memory_space<vmem>>) target_semaphore(%dma_start3A_170 : memref<!tpu.dma_semaphore, #tpu.memory_space<semaphore_mem>>)
        } else {
        }
        %add3A_97 = arith.addi %get3A_0, %add3A_76 : i32
        %mul3A_98 = arith.constant 2048 : i32
        %mul3A_99 = arith.muli %add3A_97, %mul3A_98 : i32
        %add3A_100 = arith.constant 209408 : i32
        %add3A_101 = arith.addi %add3A_100, %mul3A_99 : i32
        %dma_wait3A = arith.constant 2 : i32
        %dma_wait3A_102 = arith.constant 2 : i32
        %dma_wait3A_103 = tpu.memref_slice %arg8[%dma_wait3A_102] : memref<4x!tpu.dma_semaphore, #tpu.memory_space<semaphore_mem>> -> memref<1x!tpu.dma_semaphore, #tpu.memory_space<semaphore_mem>>
        %dma_wait3A_104 = tpu.memref_squeeze %dma_wait3A_103 : memref<1x!tpu.dma_semaphore, #tpu.memory_space<semaphore_mem>> -> memref<!tpu.dma_semaphore, #tpu.memory_space<semaphore_mem>>
        %dma_wait3A_105 = arith.constant 0 : i32
        %dma_wait3A_106 = arith.constant 0 : i32
        %dma_wait3A_107 = tpu.memref_slice %arg6[%dma_wait3A, %dma_wait3A_105, %dma_wait3A_106] : memref<4x2048x128xf32, #tpu.memory_space<vmem>> -> memref<1x2048x128xf32, #tpu.memory_space<vmem>>
        %dma_wait3A_108 = tpu.memref_squeeze %dma_wait3A_107 : memref<1x2048x128xf32, #tpu.memory_space<vmem>> -> memref<2048x128xf32, #tpu.memory_space<vmem>>
        %dma_wait3A_109 = arith.constant 0 : i32
        %dma_wait3A_110 = tpu.memref_slice %arg2[%add3A_101, %dma_wait3A_109] : memref<320000x128xf32, #tpu.memory_space<any>> -> memref<2048x128xf32, #tpu.memory_space<any>>
        tpu.wait_dma2 semaphore(%dma_wait3A_104 : memref<!tpu.dma_semaphore, #tpu.memory_space<semaphore_mem>>) src(%dma_wait3A_110 : memref<2048x128xf32, #tpu.memory_space<any>>) dst(%dma_wait3A_108 : memref<2048x128xf32, #tpu.memory_space<vmem>>)
        %dma_wait3A_111 = arith.constant 2 : i32
        %dma_wait3A_112 = arith.constant 2 : i32
        %dma_wait3A_113 = tpu.memref_slice %arg9[%dma_wait3A_112] : memref<4x!tpu.dma_semaphore, #tpu.memory_space<semaphore_mem>> -> memref<1x!tpu.dma_semaphore, #tpu.memory_space<semaphore_mem>>
        %dma_wait3A_114 = tpu.memref_squeeze %dma_wait3A_113 : memref<1x!tpu.dma_semaphore, #tpu.memory_space<semaphore_mem>> -> memref<!tpu.dma_semaphore, #tpu.memory_space<semaphore_mem>>
        %dma_wait3A_115 = arith.constant 0 : i32
        %dma_wait3A_116 = tpu.memref_slice %arg7[%dma_wait3A_111, %dma_wait3A_115] : memref<4x2048xi32, #tpu.memory_space<vmem>> -> memref<1x2048xi32, #tpu.memory_space<vmem>>
        %dma_wait3A_117 = tpu.memref_squeeze %dma_wait3A_116 : memref<1x2048xi32, #tpu.memory_space<vmem>> -> memref<2048xi32, #tpu.memory_space<vmem>>
        %dma_wait3A_118 = tpu.memref_slice %arg3[%add3A_101] : memref<320000xi32, #tpu.memory_space<any>> -> memref<2048xi32, #tpu.memory_space<any>>
        tpu.wait_dma2 semaphore(%dma_wait3A_114 : memref<!tpu.dma_semaphore, #tpu.memory_space<semaphore_mem>>) src(%dma_wait3A_118 : memref<2048xi32, #tpu.memory_space<any>>) dst(%dma_wait3A_117 : memref<2048xi32, #tpu.memory_space<vmem>>)
        %get3A_119 = arith.constant 2 : index
        %get3A_120 = arith.constant 0 : index
        %get3A_121 = vector.load %arg7[%get3A_119, %get3A_120] : memref<4x2048xi32, #tpu.memory_space<vmem>>, vector<1x2048xi32>
        %get3A_122 = vector.shape_cast %get3A_121 : vector<1x2048xi32> to vector<2048xi32>
        %reshape3A = vector.shape_cast %get3A_122 : vector<2048xi32> to vector<1x2048xi32>
        %eq3A = vector.broadcast %reshape3A : vector<1x2048xi32> to vector<128x2048xi32>
        %eq3A_123 = arith.cmpi eq, %add3A_26, %eq3A : vector<128x2048xi32>
        %convert_element_type3A_124 = arith.extui %eq3A_123 : vector<128x2048xi1> to vector<128x2048xi32>
        %convert_element_type3A_125 = arith.sitofp %convert_element_type3A_124 : vector<128x2048xi32> to vector<128x2048xf32>
        %get3A_126 = arith.constant 2 : index
        %get3A_127 = arith.constant 0 : index
        %get3A_128 = arith.constant 0 : index
        %get3A_129 = vector.load %arg6[%get3A_126, %get3A_127, %get3A_128] : memref<4x2048x128xf32, #tpu.memory_space<vmem>>, vector<1x2048x128xf32>
        %get3A_130 = vector.shape_cast %get3A_129 : vector<1x2048x128xf32> to vector<2048x128xf32>
        %convert_element_type3A_131 = arith.truncf %get3A_130 : vector<2048x128xf32> to vector<2048x128xbf16>
        %convert_element_type3A_132 = arith.extf %convert_element_type3A_131 : vector<2048x128xbf16> to vector<2048x128xf32>
        %sub3A_133 = arith.subf %get3A_130, %convert_element_type3A_132 : vector<2048x128xf32>
        %concatenate3A = tpu.concatenate %convert_element_type3A_132, %sub3A_133 in 1 : vector<2048x128xf32>, vector<2048x128xf32> -> vector<2048x256xf32>
        %dot_general3A = arith.constant dense<0.000000e+00> : vector<128x256xf32>
        %dot_general3A_134 = tpu.matmul %convert_element_type3A_125, %concatenate3A, %dot_general3A {dimension_numbers = #tpu.dot_dimension_numbers<[1], [0], [0], [1], [0, 0, 1, 1], [], []>, transpose_lhs_hint = false} : vector<128x2048xf32>, vector<2048x256xf32>, vector<128x256xf32> -> vector<128x256xf32>
        %get3A_135 = arith.constant 0 : index
        %get3A_136 = arith.constant 0 : index
        %get3A_137 = vector.load %arg4[%get3A_135, %get3A_136] : memref<128x128xf32, #tpu.memory_space<vmem>>, vector<128x128xf32>
        %slice3A = vector.extract_strided_slice %dot_general3A_134 {offsets = [0, 0], sizes = [128, 128], strides = [1, 1]} : vector<128x256xf32> to vector<128x128xf32>
        %slice3A_138 = vector.extract_strided_slice %dot_general3A_134 {offsets = [0, 128], sizes = [128, 128], strides = [1, 1]} : vector<128x256xf32> to vector<128x128xf32>
        %add3A_139 = arith.addf %slice3A, %slice3A_138 : vector<128x128xf32>
        %add3A_140 = arith.addf %get3A_137, %add3A_139 : vector<128x128xf32>
        %swap3A_141 = arith.constant 0 : index
        %swap3A_142 = arith.constant 0 : index
        %swap3A_143 = vector.load %arg4[%swap3A_141, %swap3A_142] : memref<128x128xf32, #tpu.memory_space<vmem>>, vector<128x128xf32>
        tpu.vector_store %arg4[%swap3A_141, %swap3A_142], %add3A_140 {strides = array<i32>} : memref<128x128xf32, #tpu.memory_space<vmem>>, vector<128x128xf32>,
        %get3A_144 = arith.constant 0 : index
        %get3A_145 = arith.constant 0 : index
        %get3A_146 = vector.load %arg5[%get3A_144, %get3A_145] : memref<128x1xf32, #tpu.memory_space<vmem>>, vector<128x1xf32>
        %reduce_sum3A = arith.constant dense<0.000000e+00> : vector<128xf32>
        %reduce_sum3A_147 = vector.multi_reduction <add>, %convert_element_type3A_125, %reduce_sum3A [1] : vector<128x2048xf32> to vector<128xf32>
        %broadcast_in_dim3A_148 = vector.shape_cast %reduce_sum3A_147 : vector<128xf32> to vector<128x1xf32>
        %add3A_149 = arith.addf %get3A_146, %broadcast_in_dim3A_148 : vector<128x1xf32>
        %swap3A_150 = arith.constant 0 : index
        %swap3A_151 = arith.constant 0 : index
        %swap3A_152 = vector.load %arg5[%swap3A_150, %swap3A_151] : memref<128x1xf32, #tpu.memory_space<vmem>>, vector<128x1xf32>
        tpu.vector_store %arg5[%swap3A_150, %swap3A_151], %add3A_149 {strides = array<i32>} : memref<128x1xf32, #tpu.memory_space<vmem>>, vector<128x1xf32>,
      } else {
      }
      %mul3A_81 = arith.constant 4 : i32
      %mul3A_82 = arith.muli %mul3A_81, %while3A_57 : i32
      %add3A_83 = arith.constant 3 : i32
      %add3A_84 = arith.addi %mul3A_82, %add3A_83 : i32
      %lt3A_85 = arith.cmpi slt, %add3A_84, %sub3A : i32
      %convert_element_type3A_86 = arith.extui %lt3A_85 : i1 to i32
      %cond3A_87 = arith.constant 0 : i32
      %cond3A_88 = arith.cmpi ne, %convert_element_type3A_86, %cond3A_87 : i32
      scf.if %cond3A_88 {
        %add3A_89 = arith.constant 4 : i32
        %add3A_90 = arith.addi %add3A_84, %add3A_89 : i32
        %sub3A_91 = arith.constant 1 : i32
        %sub3A_92 = arith.subi %add3A_90, %sub3A_91 : i32
        %lt3A_93 = arith.cmpi slt, %sub3A_92, %sub3A : i32
        %convert_element_type3A_94 = arith.extui %lt3A_93 : i1 to i32
        %cond3A_95 = arith.constant 0 : i32
        %cond3A_96 = arith.cmpi ne, %convert_element_type3A_94, %cond3A_95 : i32
        scf.if %cond3A_96 {
          %add3A_153 = arith.addi %get3A_0, %sub3A_92 : i32
          %mul3A_154 = arith.constant 2048 : i32
          %mul3A_155 = arith.muli %add3A_153, %mul3A_154 : i32
          %add3A_156 = arith.constant 209408 : i32
          %add3A_157 = arith.addi %add3A_156, %mul3A_155 : i32
          %dma_start3A = arith.constant 2 : i32
          %dma_start3A_158 = arith.constant 2 : i32
          %dma_start3A_159 = tpu.memref_slice %arg8[%dma_start3A_158] : memref<4x!tpu.dma_semaphore, #tpu.memory_space<semaphore_mem>> -> memref<1x!tpu.dma_semaphore, #tpu.memory_space<semaphore_mem>>
          %dma_start3A_160 = tpu.memref_squeeze %dma_start3A_159 : memref<1x!tpu.dma_semaphore, #tpu.memory_space<semaphore_mem>> -> memref<!tpu.dma_semaphore, #tpu.memory_space<semaphore_mem>>
          %dma_start3A_161 = arith.constant 0 : i32
          %dma_start3A_162 = arith.constant 0 : i32
          %dma_start3A_163 = tpu.memref_slice %arg6[%dma_start3A, %dma_start3A_161, %dma_start3A_162] : memref<4x2048x128xf32, #tpu.memory_space<vmem>> -> memref<1x2048x128xf32, #tpu.memory_space<vmem>>
          %dma_start3A_164 = tpu.memref_squeeze %dma_start3A_163 : memref<1x2048x128xf32, #tpu.memory_space<vmem>> -> memref<2048x128xf32, #tpu.memory_space<vmem>>
          %dma_start3A_165 = arith.constant 0 : i32
          %dma_start3A_166 = tpu.memref_slice %arg2[%add3A_157, %dma_start3A_165] : memref<320000x128xf32, #tpu.memory_space<any>> -> memref<2048x128xf32, #tpu.memory_space<any>>
          tpu.enqueue_dma source(%dma_start3A_166 : memref<2048x128xf32, #tpu.memory_space<any>>) target(%dma_start3A_164 : memref<2048x128xf32, #tpu.memory_space<vmem>>) target_semaphore(%dma_start3A_160 : memref<!tpu.dma_semaphore, #tpu.memory_space<semaphore_mem>>)
          %dma_start3A_167 = arith.constant 2 : i32
          %dma_start3A_168 = arith.constant 2 : i32
          %dma_start3A_169 = tpu.memref_slice %arg9[%dma_start3A_168] : memref<4x!tpu.dma_semaphore, #tpu.memory_space<semaphore_mem>> -> memref<1x!tpu.dma_semaphore, #tpu.memory_space<semaphore_mem>>
          %dma_start3A_170 = tpu.memref_squeeze %dma_start3A_169 : memref<1x!tpu.dma_semaphore, #tpu.memory_space<semaphore_mem>> -> memref<!tpu.dma_semaphore, #tpu.memory_space<semaphore_mem>>
          %dma_start3A_171 = arith.constant 0 : i32
          %dma_start3A_172 = tpu.memref_slice %arg7[%dma_start3A_167, %dma_start3A_171] : memref<4x2048xi32, #tpu.memory_space<vmem>> -> memref<1x2048xi32, #tpu.memory_space<vmem>>
          %dma_start3A_173 = tpu.memref_squeeze %dma_start3A_172 : memref<1x2048xi32, #tpu.memory_space<vmem>> -> memref<2048xi32, #tpu.memory_space<vmem>>
          %dma_start3A_174 = tpu.memref_slice %arg3[%add3A_157] : memref<320000xi32, #tpu.memory_space<any>> -> memref<2048xi32, #tpu.memory_space<any>>
          tpu.enqueue_dma source(%dma_start3A_174 : memref<2048xi32, #tpu.memory_space<any>>) target(%dma_start3A_173 : memref<2048xi32, #tpu.memory_space<vmem>>) target_semaphore(%dma_start3A_170 : memref<!tpu.dma_semaphore, #tpu.memory_space<semaphore_mem>>)
        } else {
        }
        %add3A_97 = arith.addi %get3A_0, %add3A_84 : i32
        %mul3A_98 = arith.constant 2048 : i32
        %mul3A_99 = arith.muli %add3A_97, %mul3A_98 : i32
        %add3A_100 = arith.constant 209408 : i32
        %add3A_101 = arith.addi %add3A_100, %mul3A_99 : i32
        %dma_wait3A = arith.constant 3 : i32
        %dma_wait3A_102 = arith.constant 3 : i32
        %dma_wait3A_103 = tpu.memref_slice %arg8[%dma_wait3A_102] : memref<4x!tpu.dma_semaphore, #tpu.memory_space<semaphore_mem>> -> memref<1x!tpu.dma_semaphore, #tpu.memory_space<semaphore_mem>>
        %dma_wait3A_104 = tpu.memref_squeeze %dma_wait3A_103 : memref<1x!tpu.dma_semaphore, #tpu.memory_space<semaphore_mem>> -> memref<!tpu.dma_semaphore, #tpu.memory_space<semaphore_mem>>
        %dma_wait3A_105 = arith.constant 0 : i32
        %dma_wait3A_106 = arith.constant 0 : i32
        %dma_wait3A_107 = tpu.memref_slice %arg6[%dma_wait3A, %dma_wait3A_105, %dma_wait3A_106] : memref<4x2048x128xf32, #tpu.memory_space<vmem>> -> memref<1x2048x128xf32, #tpu.memory_space<vmem>>
        %dma_wait3A_108 = tpu.memref_squeeze %dma_wait3A_107 : memref<1x2048x128xf32, #tpu.memory_space<vmem>> -> memref<2048x128xf32, #tpu.memory_space<vmem>>
        %dma_wait3A_109 = arith.constant 0 : i32
        %dma_wait3A_110 = tpu.memref_slice %arg2[%add3A_101, %dma_wait3A_109] : memref<320000x128xf32, #tpu.memory_space<any>> -> memref<2048x128xf32, #tpu.memory_space<any>>
        tpu.wait_dma2 semaphore(%dma_wait3A_104 : memref<!tpu.dma_semaphore, #tpu.memory_space<semaphore_mem>>) src(%dma_wait3A_110 : memref<2048x128xf32, #tpu.memory_space<any>>) dst(%dma_wait3A_108 : memref<2048x128xf32, #tpu.memory_space<vmem>>)
        %dma_wait3A_111 = arith.constant 3 : i32
        %dma_wait3A_112 = arith.constant 3 : i32
        %dma_wait3A_113 = tpu.memref_slice %arg9[%dma_wait3A_112] : memref<4x!tpu.dma_semaphore, #tpu.memory_space<semaphore_mem>> -> memref<1x!tpu.dma_semaphore, #tpu.memory_space<semaphore_mem>>
        %dma_wait3A_114 = tpu.memref_squeeze %dma_wait3A_113 : memref<1x!tpu.dma_semaphore, #tpu.memory_space<semaphore_mem>> -> memref<!tpu.dma_semaphore, #tpu.memory_space<semaphore_mem>>
        %dma_wait3A_115 = arith.constant 0 : i32
        %dma_wait3A_116 = tpu.memref_slice %arg7[%dma_wait3A_111, %dma_wait3A_115] : memref<4x2048xi32, #tpu.memory_space<vmem>> -> memref<1x2048xi32, #tpu.memory_space<vmem>>
        %dma_wait3A_117 = tpu.memref_squeeze %dma_wait3A_116 : memref<1x2048xi32, #tpu.memory_space<vmem>> -> memref<2048xi32, #tpu.memory_space<vmem>>
        %dma_wait3A_118 = tpu.memref_slice %arg3[%add3A_101] : memref<320000xi32, #tpu.memory_space<any>> -> memref<2048xi32, #tpu.memory_space<any>>
        tpu.wait_dma2 semaphore(%dma_wait3A_114 : memref<!tpu.dma_semaphore, #tpu.memory_space<semaphore_mem>>) src(%dma_wait3A_118 : memref<2048xi32, #tpu.memory_space<any>>) dst(%dma_wait3A_117 : memref<2048xi32, #tpu.memory_space<vmem>>)
        %get3A_119 = arith.constant 3 : index
        %get3A_120 = arith.constant 0 : index
        %get3A_121 = vector.load %arg7[%get3A_119, %get3A_120] : memref<4x2048xi32, #tpu.memory_space<vmem>>, vector<1x2048xi32>
        %get3A_122 = vector.shape_cast %get3A_121 : vector<1x2048xi32> to vector<2048xi32>
        %reshape3A = vector.shape_cast %get3A_122 : vector<2048xi32> to vector<1x2048xi32>
        %eq3A = vector.broadcast %reshape3A : vector<1x2048xi32> to vector<128x2048xi32>
        %eq3A_123 = arith.cmpi eq, %add3A_26, %eq3A : vector<128x2048xi32>
        %convert_element_type3A_124 = arith.extui %eq3A_123 : vector<128x2048xi1> to vector<128x2048xi32>
        %convert_element_type3A_125 = arith.sitofp %convert_element_type3A_124 : vector<128x2048xi32> to vector<128x2048xf32>
        %get3A_126 = arith.constant 3 : index
        %get3A_127 = arith.constant 0 : index
        %get3A_128 = arith.constant 0 : index
        %get3A_129 = vector.load %arg6[%get3A_126, %get3A_127, %get3A_128] : memref<4x2048x128xf32, #tpu.memory_space<vmem>>, vector<1x2048x128xf32>
        %get3A_130 = vector.shape_cast %get3A_129 : vector<1x2048x128xf32> to vector<2048x128xf32>
        %convert_element_type3A_131 = arith.truncf %get3A_130 : vector<2048x128xf32> to vector<2048x128xbf16>
        %convert_element_type3A_132 = arith.extf %convert_element_type3A_131 : vector<2048x128xbf16> to vector<2048x128xf32>
        %sub3A_133 = arith.subf %get3A_130, %convert_element_type3A_132 : vector<2048x128xf32>
        %concatenate3A = tpu.concatenate %convert_element_type3A_132, %sub3A_133 in 1 : vector<2048x128xf32>, vector<2048x128xf32> -> vector<2048x256xf32>
        %dot_general3A = arith.constant dense<0.000000e+00> : vector<128x256xf32>
        %dot_general3A_134 = tpu.matmul %convert_element_type3A_125, %concatenate3A, %dot_general3A {dimension_numbers = #tpu.dot_dimension_numbers<[1], [0], [0], [1], [0, 0, 1, 1], [], []>, transpose_lhs_hint = false} : vector<128x2048xf32>, vector<2048x256xf32>, vector<128x256xf32> -> vector<128x256xf32>
        %get3A_135 = arith.constant 0 : index
        %get3A_136 = arith.constant 0 : index
        %get3A_137 = vector.load %arg4[%get3A_135, %get3A_136] : memref<128x128xf32, #tpu.memory_space<vmem>>, vector<128x128xf32>
        %slice3A = vector.extract_strided_slice %dot_general3A_134 {offsets = [0, 0], sizes = [128, 128], strides = [1, 1]} : vector<128x256xf32> to vector<128x128xf32>
        %slice3A_138 = vector.extract_strided_slice %dot_general3A_134 {offsets = [0, 128], sizes = [128, 128], strides = [1, 1]} : vector<128x256xf32> to vector<128x128xf32>
        %add3A_139 = arith.addf %slice3A, %slice3A_138 : vector<128x128xf32>
        %add3A_140 = arith.addf %get3A_137, %add3A_139 : vector<128x128xf32>
        %swap3A_141 = arith.constant 0 : index
        %swap3A_142 = arith.constant 0 : index
        %swap3A_143 = vector.load %arg4[%swap3A_141, %swap3A_142] : memref<128x128xf32, #tpu.memory_space<vmem>>, vector<128x128xf32>
        tpu.vector_store %arg4[%swap3A_141, %swap3A_142], %add3A_140 {strides = array<i32>} : memref<128x128xf32, #tpu.memory_space<vmem>>, vector<128x128xf32>,
        %get3A_144 = arith.constant 0 : index
        %get3A_145 = arith.constant 0 : index
        %get3A_146 = vector.load %arg5[%get3A_144, %get3A_145] : memref<128x1xf32, #tpu.memory_space<vmem>>, vector<128x1xf32>
        %reduce_sum3A = arith.constant dense<0.000000e+00> : vector<128xf32>
        %reduce_sum3A_147 = vector.multi_reduction <add>, %convert_element_type3A_125, %reduce_sum3A [1] : vector<128x2048xf32> to vector<128xf32>
        %broadcast_in_dim3A_148 = vector.shape_cast %reduce_sum3A_147 : vector<128xf32> to vector<128x1xf32>
        %add3A_149 = arith.addf %get3A_146, %broadcast_in_dim3A_148 : vector<128x1xf32>
        %swap3A_150 = arith.constant 0 : index
        %swap3A_151 = arith.constant 0 : index
        %swap3A_152 = vector.load %arg5[%swap3A_150, %swap3A_151] : memref<128x1xf32, #tpu.memory_space<vmem>>, vector<128x1xf32>
        tpu.vector_store %arg5[%swap3A_150, %swap3A_151], %add3A_149 {strides = array<i32>} : memref<128x1xf32, #tpu.memory_space<vmem>>, vector<128x1xf32>,
      } else {
      }
    }
    %while3A_56 = arith.constant 1 : i32
    scf.for %while3A_57 = %while3A_54 to %while3A_50 step %while3A_56  : i32 {
      %mul3A_58 = arith.constant 4 : i32
      %mul3A_59 = arith.muli %mul3A_58, %while3A_57 : i32
      %add3A_60 = arith.constant 0 : i32
      %add3A_61 = arith.addi %mul3A_59, %add3A_60 : i32
      %lt3A = arith.cmpi slt, %add3A_61, %sub3A : i32
      %convert_element_type3A_62 = arith.extui %lt3A : i1 to i32
      %cond3A_63 = arith.constant 0 : i32
      %cond3A_64 = arith.cmpi ne, %convert_element_type3A_62, %cond3A_63 : i32
      scf.if %cond3A_64 {
        %add3A_89 = arith.constant 4 : i32
        %add3A_90 = arith.addi %add3A_61, %add3A_89 : i32
        %sub3A_91 = arith.constant 1 : i32
        %sub3A_92 = arith.subi %add3A_90, %sub3A_91 : i32
        %lt3A_93 = arith.cmpi slt, %sub3A_92, %sub3A : i32
        %convert_element_type3A_94 = arith.extui %lt3A_93 : i1 to i32
        %cond3A_95 = arith.constant 0 : i32
        %cond3A_96 = arith.cmpi ne, %convert_element_type3A_94, %cond3A_95 : i32
        scf.if %cond3A_96 {
          %add3A_153 = arith.addi %get3A_0, %sub3A_92 : i32
          %mul3A_154 = arith.constant 2048 : i32
          %mul3A_155 = arith.muli %add3A_153, %mul3A_154 : i32
          %add3A_156 = arith.constant 209408 : i32
          %add3A_157 = arith.addi %add3A_156, %mul3A_155 : i32
          %dma_start3A = arith.constant 3 : i32
          %dma_start3A_158 = arith.constant 3 : i32
          %dma_start3A_159 = tpu.memref_slice %arg8[%dma_start3A_158] : memref<4x!tpu.dma_semaphore, #tpu.memory_space<semaphore_mem>> -> memref<1x!tpu.dma_semaphore, #tpu.memory_space<semaphore_mem>>
          %dma_start3A_160 = tpu.memref_squeeze %dma_start3A_159 : memref<1x!tpu.dma_semaphore, #tpu.memory_space<semaphore_mem>> -> memref<!tpu.dma_semaphore, #tpu.memory_space<semaphore_mem>>
          %dma_start3A_161 = arith.constant 0 : i32
          %dma_start3A_162 = arith.constant 0 : i32
          %dma_start3A_163 = tpu.memref_slice %arg6[%dma_start3A, %dma_start3A_161, %dma_start3A_162] : memref<4x2048x128xf32, #tpu.memory_space<vmem>> -> memref<1x2048x128xf32, #tpu.memory_space<vmem>>
          %dma_start3A_164 = tpu.memref_squeeze %dma_start3A_163 : memref<1x2048x128xf32, #tpu.memory_space<vmem>> -> memref<2048x128xf32, #tpu.memory_space<vmem>>
          %dma_start3A_165 = arith.constant 0 : i32
          %dma_start3A_166 = tpu.memref_slice %arg2[%add3A_157, %dma_start3A_165] : memref<320000x128xf32, #tpu.memory_space<any>> -> memref<2048x128xf32, #tpu.memory_space<any>>
          tpu.enqueue_dma source(%dma_start3A_166 : memref<2048x128xf32, #tpu.memory_space<any>>) target(%dma_start3A_164 : memref<2048x128xf32, #tpu.memory_space<vmem>>) target_semaphore(%dma_start3A_160 : memref<!tpu.dma_semaphore, #tpu.memory_space<semaphore_mem>>)
          %dma_start3A_167 = arith.constant 3 : i32
          %dma_start3A_168 = arith.constant 3 : i32
          %dma_start3A_169 = tpu.memref_slice %arg9[%dma_start3A_168] : memref<4x!tpu.dma_semaphore, #tpu.memory_space<semaphore_mem>> -> memref<1x!tpu.dma_semaphore, #tpu.memory_space<semaphore_mem>>
          %dma_start3A_170 = tpu.memref_squeeze %dma_start3A_169 : memref<1x!tpu.dma_semaphore, #tpu.memory_space<semaphore_mem>> -> memref<!tpu.dma_semaphore, #tpu.memory_space<semaphore_mem>>
          %dma_start3A_171 = arith.constant 0 : i32
          %dma_start3A_172 = tpu.memref_slice %arg7[%dma_start3A_167, %dma_start3A_171] : memref<4x2048xi32, #tpu.memory_space<vmem>> -> memref<1x2048xi32, #tpu.memory_space<vmem>>
          %dma_start3A_173 = tpu.memref_squeeze %dma_start3A_172 : memref<1x2048xi32, #tpu.memory_space<vmem>> -> memref<2048xi32, #tpu.memory_space<vmem>>
          %dma_start3A_174 = tpu.memref_slice %arg3[%add3A_157] : memref<320000xi32, #tpu.memory_space<any>> -> memref<2048xi32, #tpu.memory_space<any>>
          tpu.enqueue_dma source(%dma_start3A_174 : memref<2048xi32, #tpu.memory_space<any>>) target(%dma_start3A_173 : memref<2048xi32, #tpu.memory_space<vmem>>) target_semaphore(%dma_start3A_170 : memref<!tpu.dma_semaphore, #tpu.memory_space<semaphore_mem>>)
        } else {
        }
        %add3A_97 = arith.addi %get3A_0, %add3A_61 : i32
        %mul3A_98 = arith.constant 2048 : i32
        %mul3A_99 = arith.muli %add3A_97, %mul3A_98 : i32
        %add3A_100 = arith.constant 209408 : i32
        %add3A_101 = arith.addi %add3A_100, %mul3A_99 : i32
        %dma_wait3A = arith.constant 0 : i32
        %dma_wait3A_102 = arith.constant 0 : i32
        %dma_wait3A_103 = tpu.memref_slice %arg8[%dma_wait3A_102] : memref<4x!tpu.dma_semaphore, #tpu.memory_space<semaphore_mem>> -> memref<1x!tpu.dma_semaphore, #tpu.memory_space<semaphore_mem>>
        %dma_wait3A_104 = tpu.memref_squeeze %dma_wait3A_103 : memref<1x!tpu.dma_semaphore, #tpu.memory_space<semaphore_mem>> -> memref<!tpu.dma_semaphore, #tpu.memory_space<semaphore_mem>>
        %dma_wait3A_105 = arith.constant 0 : i32
        %dma_wait3A_106 = arith.constant 0 : i32
        %dma_wait3A_107 = tpu.memref_slice %arg6[%dma_wait3A, %dma_wait3A_105, %dma_wait3A_106] : memref<4x2048x128xf32, #tpu.memory_space<vmem>> -> memref<1x2048x128xf32, #tpu.memory_space<vmem>>
        %dma_wait3A_108 = tpu.memref_squeeze %dma_wait3A_107 : memref<1x2048x128xf32, #tpu.memory_space<vmem>> -> memref<2048x128xf32, #tpu.memory_space<vmem>>
        %dma_wait3A_109 = arith.constant 0 : i32
        %dma_wait3A_110 = tpu.memref_slice %arg2[%add3A_101, %dma_wait3A_109] : memref<320000x128xf32, #tpu.memory_space<any>> -> memref<2048x128xf32, #tpu.memory_space<any>>
        tpu.wait_dma2 semaphore(%dma_wait3A_104 : memref<!tpu.dma_semaphore, #tpu.memory_space<semaphore_mem>>) src(%dma_wait3A_110 : memref<2048x128xf32, #tpu.memory_space<any>>) dst(%dma_wait3A_108 : memref<2048x128xf32, #tpu.memory_space<vmem>>)
        %dma_wait3A_111 = arith.constant 0 : i32
        %dma_wait3A_112 = arith.constant 0 : i32
        %dma_wait3A_113 = tpu.memref_slice %arg9[%dma_wait3A_112] : memref<4x!tpu.dma_semaphore, #tpu.memory_space<semaphore_mem>> -> memref<1x!tpu.dma_semaphore, #tpu.memory_space<semaphore_mem>>
        %dma_wait3A_114 = tpu.memref_squeeze %dma_wait3A_113 : memref<1x!tpu.dma_semaphore, #tpu.memory_space<semaphore_mem>> -> memref<!tpu.dma_semaphore, #tpu.memory_space<semaphore_mem>>
        %dma_wait3A_115 = arith.constant 0 : i32
        %dma_wait3A_116 = tpu.memref_slice %arg7[%dma_wait3A_111, %dma_wait3A_115] : memref<4x2048xi32, #tpu.memory_space<vmem>> -> memref<1x2048xi32, #tpu.memory_space<vmem>>
        %dma_wait3A_117 = tpu.memref_squeeze %dma_wait3A_116 : memref<1x2048xi32, #tpu.memory_space<vmem>> -> memref<2048xi32, #tpu.memory_space<vmem>>
        %dma_wait3A_118 = tpu.memref_slice %arg3[%add3A_101] : memref<320000xi32, #tpu.memory_space<any>> -> memref<2048xi32, #tpu.memory_space<any>>
        tpu.wait_dma2 semaphore(%dma_wait3A_114 : memref<!tpu.dma_semaphore, #tpu.memory_space<semaphore_mem>>) src(%dma_wait3A_118 : memref<2048xi32, #tpu.memory_space<any>>) dst(%dma_wait3A_117 : memref<2048xi32, #tpu.memory_space<vmem>>)
        %get3A_119 = arith.constant 0 : index
        %get3A_120 = arith.constant 0 : index
        %get3A_121 = vector.load %arg7[%get3A_119, %get3A_120] : memref<4x2048xi32, #tpu.memory_space<vmem>>, vector<1x2048xi32>
        %get3A_122 = vector.shape_cast %get3A_121 : vector<1x2048xi32> to vector<2048xi32>
        %reshape3A = vector.shape_cast %get3A_122 : vector<2048xi32> to vector<1x2048xi32>
        %eq3A = vector.broadcast %reshape3A : vector<1x2048xi32> to vector<128x2048xi32>
        %eq3A_123 = arith.cmpi eq, %add3A_26, %eq3A : vector<128x2048xi32>
        %convert_element_type3A_124 = arith.extui %eq3A_123 : vector<128x2048xi1> to vector<128x2048xi32>
        %convert_element_type3A_125 = arith.sitofp %convert_element_type3A_124 : vector<128x2048xi32> to vector<128x2048xf32>
        %get3A_126 = arith.constant 0 : index
        %get3A_127 = arith.constant 0 : index
        %get3A_128 = arith.constant 0 : index
        %get3A_129 = vector.load %arg6[%get3A_126, %get3A_127, %get3A_128] : memref<4x2048x128xf32, #tpu.memory_space<vmem>>, vector<1x2048x128xf32>
        %get3A_130 = vector.shape_cast %get3A_129 : vector<1x2048x128xf32> to vector<2048x128xf32>
        %convert_element_type3A_131 = arith.truncf %get3A_130 : vector<2048x128xf32> to vector<2048x128xbf16>
        %convert_element_type3A_132 = arith.extf %convert_element_type3A_131 : vector<2048x128xbf16> to vector<2048x128xf32>
        %sub3A_133 = arith.subf %get3A_130, %convert_element_type3A_132 : vector<2048x128xf32>
        %concatenate3A = tpu.concatenate %convert_element_type3A_132, %sub3A_133 in 1 : vector<2048x128xf32>, vector<2048x128xf32> -> vector<2048x256xf32>
        %dot_general3A = arith.constant dense<0.000000e+00> : vector<128x256xf32>
        %dot_general3A_134 = tpu.matmul %convert_element_type3A_125, %concatenate3A, %dot_general3A {dimension_numbers = #tpu.dot_dimension_numbers<[1], [0], [0], [1], [0, 0, 1, 1], [], []>, transpose_lhs_hint = false} : vector<128x2048xf32>, vector<2048x256xf32>, vector<128x256xf32> -> vector<128x256xf32>
        %get3A_135 = arith.constant 0 : index
        %get3A_136 = arith.constant 0 : index
        %get3A_137 = vector.load %arg4[%get3A_135, %get3A_136] : memref<128x128xf32, #tpu.memory_space<vmem>>, vector<128x128xf32>
        %slice3A = vector.extract_strided_slice %dot_general3A_134 {offsets = [0, 0], sizes = [128, 128], strides = [1, 1]} : vector<128x256xf32> to vector<128x128xf32>
        %slice3A_138 = vector.extract_strided_slice %dot_general3A_134 {offsets = [0, 128], sizes = [128, 128], strides = [1, 1]} : vector<128x256xf32> to vector<128x128xf32>
        %add3A_139 = arith.addf %slice3A, %slice3A_138 : vector<128x128xf32>
        %add3A_140 = arith.addf %get3A_137, %add3A_139 : vector<128x128xf32>
        %swap3A_141 = arith.constant 0 : index
        %swap3A_142 = arith.constant 0 : index
        %swap3A_143 = vector.load %arg4[%swap3A_141, %swap3A_142] : memref<128x128xf32, #tpu.memory_space<vmem>>, vector<128x128xf32>
        tpu.vector_store %arg4[%swap3A_141, %swap3A_142], %add3A_140 {strides = array<i32>} : memref<128x128xf32, #tpu.memory_space<vmem>>, vector<128x128xf32>,
        %get3A_144 = arith.constant 0 : index
        %get3A_145 = arith.constant 0 : index
        %get3A_146 = vector.load %arg5[%get3A_144, %get3A_145] : memref<128x1xf32, #tpu.memory_space<vmem>>, vector<128x1xf32>
        %reduce_sum3A = arith.constant dense<0.000000e+00> : vector<128xf32>
        %reduce_sum3A_147 = vector.multi_reduction <add>, %convert_element_type3A_125, %reduce_sum3A [1] : vector<128x2048xf32> to vector<128xf32>
        %broadcast_in_dim3A_148 = vector.shape_cast %reduce_sum3A_147 : vector<128xf32> to vector<128x1xf32>
        %add3A_149 = arith.addf %get3A_146, %broadcast_in_dim3A_148 : vector<128x1xf32>
        %swap3A_150 = arith.constant 0 : index
        %swap3A_151 = arith.constant 0 : index
        %swap3A_152 = vector.load %arg5[%swap3A_150, %swap3A_151] : memref<128x1xf32, #tpu.memory_space<vmem>>, vector<128x1xf32>
        tpu.vector_store %arg5[%swap3A_150, %swap3A_151], %add3A_149 {strides = array<i32>} : memref<128x1xf32, #tpu.memory_space<vmem>>, vector<128x1xf32>,
      } else {
      }
      %mul3A_65 = arith.constant 4 : i32
      %mul3A_66 = arith.muli %mul3A_65, %while3A_57 : i32
      %add3A_67 = arith.constant 1 : i32
      %add3A_68 = arith.addi %mul3A_66, %add3A_67 : i32
      %lt3A_69 = arith.cmpi slt, %add3A_68, %sub3A : i32
      %convert_element_type3A_70 = arith.extui %lt3A_69 : i1 to i32
      %cond3A_71 = arith.constant 0 : i32
      %cond3A_72 = arith.cmpi ne, %convert_element_type3A_70, %cond3A_71 : i32
      scf.if %cond3A_72 {
        %add3A_89 = arith.constant 4 : i32
        %add3A_90 = arith.addi %add3A_68, %add3A_89 : i32
        %sub3A_91 = arith.constant 1 : i32
        %sub3A_92 = arith.subi %add3A_90, %sub3A_91 : i32
        %lt3A_93 = arith.cmpi slt, %sub3A_92, %sub3A : i32
        %convert_element_type3A_94 = arith.extui %lt3A_93 : i1 to i32
        %cond3A_95 = arith.constant 0 : i32
        %cond3A_96 = arith.cmpi ne, %convert_element_type3A_94, %cond3A_95 : i32
        scf.if %cond3A_96 {
          %add3A_153 = arith.addi %get3A_0, %sub3A_92 : i32
          %mul3A_154 = arith.constant 2048 : i32
          %mul3A_155 = arith.muli %add3A_153, %mul3A_154 : i32
          %add3A_156 = arith.constant 209408 : i32
          %add3A_157 = arith.addi %add3A_156, %mul3A_155 : i32
          %dma_start3A = arith.constant 0 : i32
          %dma_start3A_158 = arith.constant 0 : i32
          %dma_start3A_159 = tpu.memref_slice %arg8[%dma_start3A_158] : memref<4x!tpu.dma_semaphore, #tpu.memory_space<semaphore_mem>> -> memref<1x!tpu.dma_semaphore, #tpu.memory_space<semaphore_mem>>
          %dma_start3A_160 = tpu.memref_squeeze %dma_start3A_159 : memref<1x!tpu.dma_semaphore, #tpu.memory_space<semaphore_mem>> -> memref<!tpu.dma_semaphore, #tpu.memory_space<semaphore_mem>>
          %dma_start3A_161 = arith.constant 0 : i32
          %dma_start3A_162 = arith.constant 0 : i32
          %dma_start3A_163 = tpu.memref_slice %arg6[%dma_start3A, %dma_start3A_161, %dma_start3A_162] : memref<4x2048x128xf32, #tpu.memory_space<vmem>> -> memref<1x2048x128xf32, #tpu.memory_space<vmem>>
          %dma_start3A_164 = tpu.memref_squeeze %dma_start3A_163 : memref<1x2048x128xf32, #tpu.memory_space<vmem>> -> memref<2048x128xf32, #tpu.memory_space<vmem>>
          %dma_start3A_165 = arith.constant 0 : i32
          %dma_start3A_166 = tpu.memref_slice %arg2[%add3A_157, %dma_start3A_165] : memref<320000x128xf32, #tpu.memory_space<any>> -> memref<2048x128xf32, #tpu.memory_space<any>>
          tpu.enqueue_dma source(%dma_start3A_166 : memref<2048x128xf32, #tpu.memory_space<any>>) target(%dma_start3A_164 : memref<2048x128xf32, #tpu.memory_space<vmem>>) target_semaphore(%dma_start3A_160 : memref<!tpu.dma_semaphore, #tpu.memory_space<semaphore_mem>>)
          %dma_start3A_167 = arith.constant 0 : i32
          %dma_start3A_168 = arith.constant 0 : i32
          %dma_start3A_169 = tpu.memref_slice %arg9[%dma_start3A_168] : memref<4x!tpu.dma_semaphore, #tpu.memory_space<semaphore_mem>> -> memref<1x!tpu.dma_semaphore, #tpu.memory_space<semaphore_mem>>
          %dma_start3A_170 = tpu.memref_squeeze %dma_start3A_169 : memref<1x!tpu.dma_semaphore, #tpu.memory_space<semaphore_mem>> -> memref<!tpu.dma_semaphore, #tpu.memory_space<semaphore_mem>>
          %dma_start3A_171 = arith.constant 0 : i32
          %dma_start3A_172 = tpu.memref_slice %arg7[%dma_start3A_167, %dma_start3A_171] : memref<4x2048xi32, #tpu.memory_space<vmem>> -> memref<1x2048xi32, #tpu.memory_space<vmem>>
          %dma_start3A_173 = tpu.memref_squeeze %dma_start3A_172 : memref<1x2048xi32, #tpu.memory_space<vmem>> -> memref<2048xi32, #tpu.memory_space<vmem>>
          %dma_start3A_174 = tpu.memref_slice %arg3[%add3A_157] : memref<320000xi32, #tpu.memory_space<any>> -> memref<2048xi32, #tpu.memory_space<any>>
          tpu.enqueue_dma source(%dma_start3A_174 : memref<2048xi32, #tpu.memory_space<any>>) target(%dma_start3A_173 : memref<2048xi32, #tpu.memory_space<vmem>>) target_semaphore(%dma_start3A_170 : memref<!tpu.dma_semaphore, #tpu.memory_space<semaphore_mem>>)
        } else {
        }
        %add3A_97 = arith.addi %get3A_0, %add3A_68 : i32
        %mul3A_98 = arith.constant 2048 : i32
        %mul3A_99 = arith.muli %add3A_97, %mul3A_98 : i32
        %add3A_100 = arith.constant 209408 : i32
        %add3A_101 = arith.addi %add3A_100, %mul3A_99 : i32
        %dma_wait3A = arith.constant 1 : i32
        %dma_wait3A_102 = arith.constant 1 : i32
        %dma_wait3A_103 = tpu.memref_slice %arg8[%dma_wait3A_102] : memref<4x!tpu.dma_semaphore, #tpu.memory_space<semaphore_mem>> -> memref<1x!tpu.dma_semaphore, #tpu.memory_space<semaphore_mem>>
        %dma_wait3A_104 = tpu.memref_squeeze %dma_wait3A_103 : memref<1x!tpu.dma_semaphore, #tpu.memory_space<semaphore_mem>> -> memref<!tpu.dma_semaphore, #tpu.memory_space<semaphore_mem>>
        %dma_wait3A_105 = arith.constant 0 : i32
        %dma_wait3A_106 = arith.constant 0 : i32
        %dma_wait3A_107 = tpu.memref_slice %arg6[%dma_wait3A, %dma_wait3A_105, %dma_wait3A_106] : memref<4x2048x128xf32, #tpu.memory_space<vmem>> -> memref<1x2048x128xf32, #tpu.memory_space<vmem>>
        %dma_wait3A_108 = tpu.memref_squeeze %dma_wait3A_107 : memref<1x2048x128xf32, #tpu.memory_space<vmem>> -> memref<2048x128xf32, #tpu.memory_space<vmem>>
        %dma_wait3A_109 = arith.constant 0 : i32
        %dma_wait3A_110 = tpu.memref_slice %arg2[%add3A_101, %dma_wait3A_109] : memref<320000x128xf32, #tpu.memory_space<any>> -> memref<2048x128xf32, #tpu.memory_space<any>>
        tpu.wait_dma2 semaphore(%dma_wait3A_104 : memref<!tpu.dma_semaphore, #tpu.memory_space<semaphore_mem>>) src(%dma_wait3A_110 : memref<2048x128xf32, #tpu.memory_space<any>>) dst(%dma_wait3A_108 : memref<2048x128xf32, #tpu.memory_space<vmem>>)
        %dma_wait3A_111 = arith.constant 1 : i32
        %dma_wait3A_112 = arith.constant 1 : i32
        %dma_wait3A_113 = tpu.memref_slice %arg9[%dma_wait3A_112] : memref<4x!tpu.dma_semaphore, #tpu.memory_space<semaphore_mem>> -> memref<1x!tpu.dma_semaphore, #tpu.memory_space<semaphore_mem>>
        %dma_wait3A_114 = tpu.memref_squeeze %dma_wait3A_113 : memref<1x!tpu.dma_semaphore, #tpu.memory_space<semaphore_mem>> -> memref<!tpu.dma_semaphore, #tpu.memory_space<semaphore_mem>>
        %dma_wait3A_115 = arith.constant 0 : i32
        %dma_wait3A_116 = tpu.memref_slice %arg7[%dma_wait3A_111, %dma_wait3A_115] : memref<4x2048xi32, #tpu.memory_space<vmem>> -> memref<1x2048xi32, #tpu.memory_space<vmem>>
        %dma_wait3A_117 = tpu.memref_squeeze %dma_wait3A_116 : memref<1x2048xi32, #tpu.memory_space<vmem>> -> memref<2048xi32, #tpu.memory_space<vmem>>
        %dma_wait3A_118 = tpu.memref_slice %arg3[%add3A_101] : memref<320000xi32, #tpu.memory_space<any>> -> memref<2048xi32, #tpu.memory_space<any>>
        tpu.wait_dma2 semaphore(%dma_wait3A_114 : memref<!tpu.dma_semaphore, #tpu.memory_space<semaphore_mem>>) src(%dma_wait3A_118 : memref<2048xi32, #tpu.memory_space<any>>) dst(%dma_wait3A_117 : memref<2048xi32, #tpu.memory_space<vmem>>)
        %get3A_119 = arith.constant 1 : index
        %get3A_120 = arith.constant 0 : index
        %get3A_121 = vector.load %arg7[%get3A_119, %get3A_120] : memref<4x2048xi32, #tpu.memory_space<vmem>>, vector<1x2048xi32>
        %get3A_122 = vector.shape_cast %get3A_121 : vector<1x2048xi32> to vector<2048xi32>
        %reshape3A = vector.shape_cast %get3A_122 : vector<2048xi32> to vector<1x2048xi32>
        %eq3A = vector.broadcast %reshape3A : vector<1x2048xi32> to vector<128x2048xi32>
        %eq3A_123 = arith.cmpi eq, %add3A_26, %eq3A : vector<128x2048xi32>
        %convert_element_type3A_124 = arith.extui %eq3A_123 : vector<128x2048xi1> to vector<128x2048xi32>
        %convert_element_type3A_125 = arith.sitofp %convert_element_type3A_124 : vector<128x2048xi32> to vector<128x2048xf32>
        %get3A_126 = arith.constant 1 : index
        %get3A_127 = arith.constant 0 : index
        %get3A_128 = arith.constant 0 : index
        %get3A_129 = vector.load %arg6[%get3A_126, %get3A_127, %get3A_128] : memref<4x2048x128xf32, #tpu.memory_space<vmem>>, vector<1x2048x128xf32>
        %get3A_130 = vector.shape_cast %get3A_129 : vector<1x2048x128xf32> to vector<2048x128xf32>
        %convert_element_type3A_131 = arith.truncf %get3A_130 : vector<2048x128xf32> to vector<2048x128xbf16>
        %convert_element_type3A_132 = arith.extf %convert_element_type3A_131 : vector<2048x128xbf16> to vector<2048x128xf32>
        %sub3A_133 = arith.subf %get3A_130, %convert_element_type3A_132 : vector<2048x128xf32>
        %concatenate3A = tpu.concatenate %convert_element_type3A_132, %sub3A_133 in 1 : vector<2048x128xf32>, vector<2048x128xf32> -> vector<2048x256xf32>
        %dot_general3A = arith.constant dense<0.000000e+00> : vector<128x256xf32>
        %dot_general3A_134 = tpu.matmul %convert_element_type3A_125, %concatenate3A, %dot_general3A {dimension_numbers = #tpu.dot_dimension_numbers<[1], [0], [0], [1], [0, 0, 1, 1], [], []>, transpose_lhs_hint = false} : vector<128x2048xf32>, vector<2048x256xf32>, vector<128x256xf32> -> vector<128x256xf32>
        %get3A_135 = arith.constant 0 : index
        %get3A_136 = arith.constant 0 : index
        %get3A_137 = vector.load %arg4[%get3A_135, %get3A_136] : memref<128x128xf32, #tpu.memory_space<vmem>>, vector<128x128xf32>
        %slice3A = vector.extract_strided_slice %dot_general3A_134 {offsets = [0, 0], sizes = [128, 128], strides = [1, 1]} : vector<128x256xf32> to vector<128x128xf32>
        %slice3A_138 = vector.extract_strided_slice %dot_general3A_134 {offsets = [0, 128], sizes = [128, 128], strides = [1, 1]} : vector<128x256xf32> to vector<128x128xf32>
        %add3A_139 = arith.addf %slice3A, %slice3A_138 : vector<128x128xf32>
        %add3A_140 = arith.addf %get3A_137, %add3A_139 : vector<128x128xf32>
        %swap3A_141 = arith.constant 0 : index
        %swap3A_142 = arith.constant 0 : index
        %swap3A_143 = vector.load %arg4[%swap3A_141, %swap3A_142] : memref<128x128xf32, #tpu.memory_space<vmem>>, vector<128x128xf32>
        tpu.vector_store %arg4[%swap3A_141, %swap3A_142], %add3A_140 {strides = array<i32>} : memref<128x128xf32, #tpu.memory_space<vmem>>, vector<128x128xf32>,
        %get3A_144 = arith.constant 0 : index
        %get3A_145 = arith.constant 0 : index
        %get3A_146 = vector.load %arg5[%get3A_144, %get3A_145] : memref<128x1xf32, #tpu.memory_space<vmem>>, vector<128x1xf32>
        %reduce_sum3A = arith.constant dense<0.000000e+00> : vector<128xf32>
        %reduce_sum3A_147 = vector.multi_reduction <add>, %convert_element_type3A_125, %reduce_sum3A [1] : vector<128x2048xf32> to vector<128xf32>
        %broadcast_in_dim3A_148 = vector.shape_cast %reduce_sum3A_147 : vector<128xf32> to vector<128x1xf32>
        %add3A_149 = arith.addf %get3A_146, %broadcast_in_dim3A_148 : vector<128x1xf32>
        %swap3A_150 = arith.constant 0 : index
        %swap3A_151 = arith.constant 0 : index
        %swap3A_152 = vector.load %arg5[%swap3A_150, %swap3A_151] : memref<128x1xf32, #tpu.memory_space<vmem>>, vector<128x1xf32>
        tpu.vector_store %arg5[%swap3A_150, %swap3A_151], %add3A_149 {strides = array<i32>} : memref<128x1xf32, #tpu.memory_space<vmem>>, vector<128x1xf32>,
      } else {
      }
      %mul3A_73 = arith.constant 4 : i32
      %mul3A_74 = arith.muli %mul3A_73, %while3A_57 : i32
      %add3A_75 = arith.constant 2 : i32
      %add3A_76 = arith.addi %mul3A_74, %add3A_75 : i32
      %lt3A_77 = arith.cmpi slt, %add3A_76, %sub3A : i32
      %convert_element_type3A_78 = arith.extui %lt3A_77 : i1 to i32
      %cond3A_79 = arith.constant 0 : i32
      %cond3A_80 = arith.cmpi ne, %convert_element_type3A_78, %cond3A_79 : i32
      scf.if %cond3A_80 {
        %add3A_89 = arith.constant 4 : i32
        %add3A_90 = arith.addi %add3A_76, %add3A_89 : i32
        %sub3A_91 = arith.constant 1 : i32
        %sub3A_92 = arith.subi %add3A_90, %sub3A_91 : i32
        %lt3A_93 = arith.cmpi slt, %sub3A_92, %sub3A : i32
        %convert_element_type3A_94 = arith.extui %lt3A_93 : i1 to i32
        %cond3A_95 = arith.constant 0 : i32
        %cond3A_96 = arith.cmpi ne, %convert_element_type3A_94, %cond3A_95 : i32
        scf.if %cond3A_96 {
          %add3A_153 = arith.addi %get3A_0, %sub3A_92 : i32
          %mul3A_154 = arith.constant 2048 : i32
          %mul3A_155 = arith.muli %add3A_153, %mul3A_154 : i32
          %add3A_156 = arith.constant 209408 : i32
          %add3A_157 = arith.addi %add3A_156, %mul3A_155 : i32
          %dma_start3A = arith.constant 1 : i32
          %dma_start3A_158 = arith.constant 1 : i32
          %dma_start3A_159 = tpu.memref_slice %arg8[%dma_start3A_158] : memref<4x!tpu.dma_semaphore, #tpu.memory_space<semaphore_mem>> -> memref<1x!tpu.dma_semaphore, #tpu.memory_space<semaphore_mem>>
          %dma_start3A_160 = tpu.memref_squeeze %dma_start3A_159 : memref<1x!tpu.dma_semaphore, #tpu.memory_space<semaphore_mem>> -> memref<!tpu.dma_semaphore, #tpu.memory_space<semaphore_mem>>
          %dma_start3A_161 = arith.constant 0 : i32
          %dma_start3A_162 = arith.constant 0 : i32
          %dma_start3A_163 = tpu.memref_slice %arg6[%dma_start3A, %dma_start3A_161, %dma_start3A_162] : memref<4x2048x128xf32, #tpu.memory_space<vmem>> -> memref<1x2048x128xf32, #tpu.memory_space<vmem>>
          %dma_start3A_164 = tpu.memref_squeeze %dma_start3A_163 : memref<1x2048x128xf32, #tpu.memory_space<vmem>> -> memref<2048x128xf32, #tpu.memory_space<vmem>>
          %dma_start3A_165 = arith.constant 0 : i32
          %dma_start3A_166 = tpu.memref_slice %arg2[%add3A_157, %dma_start3A_165] : memref<320000x128xf32, #tpu.memory_space<any>> -> memref<2048x128xf32, #tpu.memory_space<any>>
          tpu.enqueue_dma source(%dma_start3A_166 : memref<2048x128xf32, #tpu.memory_space<any>>) target(%dma_start3A_164 : memref<2048x128xf32, #tpu.memory_space<vmem>>) target_semaphore(%dma_start3A_160 : memref<!tpu.dma_semaphore, #tpu.memory_space<semaphore_mem>>)
          %dma_start3A_167 = arith.constant 1 : i32
          %dma_start3A_168 = arith.constant 1 : i32
          %dma_start3A_169 = tpu.memref_slice %arg9[%dma_start3A_168] : memref<4x!tpu.dma_semaphore, #tpu.memory_space<semaphore_mem>> -> memref<1x!tpu.dma_semaphore, #tpu.memory_space<semaphore_mem>>
          %dma_start3A_170 = tpu.memref_squeeze %dma_start3A_169 : memref<1x!tpu.dma_semaphore, #tpu.memory_space<semaphore_mem>> -> memref<!tpu.dma_semaphore, #tpu.memory_space<semaphore_mem>>
          %dma_start3A_171 = arith.constant 0 : i32
          %dma_start3A_172 = tpu.memref_slice %arg7[%dma_start3A_167, %dma_start3A_171] : memref<4x2048xi32, #tpu.memory_space<vmem>> -> memref<1x2048xi32, #tpu.memory_space<vmem>>
          %dma_start3A_173 = tpu.memref_squeeze %dma_start3A_172 : memref<1x2048xi32, #tpu.memory_space<vmem>> -> memref<2048xi32, #tpu.memory_space<vmem>>
          %dma_start3A_174 = tpu.memref_slice %arg3[%add3A_157] : memref<320000xi32, #tpu.memory_space<any>> -> memref<2048xi32, #tpu.memory_space<any>>
          tpu.enqueue_dma source(%dma_start3A_174 : memref<2048xi32, #tpu.memory_space<any>>) target(%dma_start3A_173 : memref<2048xi32, #tpu.memory_space<vmem>>) target_semaphore(%dma_start3A_170 : memref<!tpu.dma_semaphore, #tpu.memory_space<semaphore_mem>>)
        } else {
        }
        %add3A_97 = arith.addi %get3A_0, %add3A_76 : i32
        %mul3A_98 = arith.constant 2048 : i32
        %mul3A_99 = arith.muli %add3A_97, %mul3A_98 : i32
        %add3A_100 = arith.constant 209408 : i32
        %add3A_101 = arith.addi %add3A_100, %mul3A_99 : i32
        %dma_wait3A = arith.constant 2 : i32
        %dma_wait3A_102 = arith.constant 2 : i32
        %dma_wait3A_103 = tpu.memref_slice %arg8[%dma_wait3A_102] : memref<4x!tpu.dma_semaphore, #tpu.memory_space<semaphore_mem>> -> memref<1x!tpu.dma_semaphore, #tpu.memory_space<semaphore_mem>>
        %dma_wait3A_104 = tpu.memref_squeeze %dma_wait3A_103 : memref<1x!tpu.dma_semaphore, #tpu.memory_space<semaphore_mem>> -> memref<!tpu.dma_semaphore, #tpu.memory_space<semaphore_mem>>
        %dma_wait3A_105 = arith.constant 0 : i32
        %dma_wait3A_106 = arith.constant 0 : i32
        %dma_wait3A_107 = tpu.memref_slice %arg6[%dma_wait3A, %dma_wait3A_105, %dma_wait3A_106] : memref<4x2048x128xf32, #tpu.memory_space<vmem>> -> memref<1x2048x128xf32, #tpu.memory_space<vmem>>
        %dma_wait3A_108 = tpu.memref_squeeze %dma_wait3A_107 : memref<1x2048x128xf32, #tpu.memory_space<vmem>> -> memref<2048x128xf32, #tpu.memory_space<vmem>>
        %dma_wait3A_109 = arith.constant 0 : i32
        %dma_wait3A_110 = tpu.memref_slice %arg2[%add3A_101, %dma_wait3A_109] : memref<320000x128xf32, #tpu.memory_space<any>> -> memref<2048x128xf32, #tpu.memory_space<any>>
        tpu.wait_dma2 semaphore(%dma_wait3A_104 : memref<!tpu.dma_semaphore, #tpu.memory_space<semaphore_mem>>) src(%dma_wait3A_110 : memref<2048x128xf32, #tpu.memory_space<any>>) dst(%dma_wait3A_108 : memref<2048x128xf32, #tpu.memory_space<vmem>>)
        %dma_wait3A_111 = arith.constant 2 : i32
        %dma_wait3A_112 = arith.constant 2 : i32
        %dma_wait3A_113 = tpu.memref_slice %arg9[%dma_wait3A_112] : memref<4x!tpu.dma_semaphore, #tpu.memory_space<semaphore_mem>> -> memref<1x!tpu.dma_semaphore, #tpu.memory_space<semaphore_mem>>
        %dma_wait3A_114 = tpu.memref_squeeze %dma_wait3A_113 : memref<1x!tpu.dma_semaphore, #tpu.memory_space<semaphore_mem>> -> memref<!tpu.dma_semaphore, #tpu.memory_space<semaphore_mem>>
        %dma_wait3A_115 = arith.constant 0 : i32
        %dma_wait3A_116 = tpu.memref_slice %arg7[%dma_wait3A_111, %dma_wait3A_115] : memref<4x2048xi32, #tpu.memory_space<vmem>> -> memref<1x2048xi32, #tpu.memory_space<vmem>>
        %dma_wait3A_117 = tpu.memref_squeeze %dma_wait3A_116 : memref<1x2048xi32, #tpu.memory_space<vmem>> -> memref<2048xi32, #tpu.memory_space<vmem>>
        %dma_wait3A_118 = tpu.memref_slice %arg3[%add3A_101] : memref<320000xi32, #tpu.memory_space<any>> -> memref<2048xi32, #tpu.memory_space<any>>
        tpu.wait_dma2 semaphore(%dma_wait3A_114 : memref<!tpu.dma_semaphore, #tpu.memory_space<semaphore_mem>>) src(%dma_wait3A_118 : memref<2048xi32, #tpu.memory_space<any>>) dst(%dma_wait3A_117 : memref<2048xi32, #tpu.memory_space<vmem>>)
        %get3A_119 = arith.constant 2 : index
        %get3A_120 = arith.constant 0 : index
        %get3A_121 = vector.load %arg7[%get3A_119, %get3A_120] : memref<4x2048xi32, #tpu.memory_space<vmem>>, vector<1x2048xi32>
        %get3A_122 = vector.shape_cast %get3A_121 : vector<1x2048xi32> to vector<2048xi32>
        %reshape3A = vector.shape_cast %get3A_122 : vector<2048xi32> to vector<1x2048xi32>
        %eq3A = vector.broadcast %reshape3A : vector<1x2048xi32> to vector<128x2048xi32>
        %eq3A_123 = arith.cmpi eq, %add3A_26, %eq3A : vector<128x2048xi32>
        %convert_element_type3A_124 = arith.extui %eq3A_123 : vector<128x2048xi1> to vector<128x2048xi32>
        %convert_element_type3A_125 = arith.sitofp %convert_element_type3A_124 : vector<128x2048xi32> to vector<128x2048xf32>
        %get3A_126 = arith.constant 2 : index
        %get3A_127 = arith.constant 0 : index
        %get3A_128 = arith.constant 0 : index
        %get3A_129 = vector.load %arg6[%get3A_126, %get3A_127, %get3A_128] : memref<4x2048x128xf32, #tpu.memory_space<vmem>>, vector<1x2048x128xf32>
        %get3A_130 = vector.shape_cast %get3A_129 : vector<1x2048x128xf32> to vector<2048x128xf32>
        %convert_element_type3A_131 = arith.truncf %get3A_130 : vector<2048x128xf32> to vector<2048x128xbf16>
        %convert_element_type3A_132 = arith.extf %convert_element_type3A_131 : vector<2048x128xbf16> to vector<2048x128xf32>
        %sub3A_133 = arith.subf %get3A_130, %convert_element_type3A_132 : vector<2048x128xf32>
        %concatenate3A = tpu.concatenate %convert_element_type3A_132, %sub3A_133 in 1 : vector<2048x128xf32>, vector<2048x128xf32> -> vector<2048x256xf32>
        %dot_general3A = arith.constant dense<0.000000e+00> : vector<128x256xf32>
        %dot_general3A_134 = tpu.matmul %convert_element_type3A_125, %concatenate3A, %dot_general3A {dimension_numbers = #tpu.dot_dimension_numbers<[1], [0], [0], [1], [0, 0, 1, 1], [], []>, transpose_lhs_hint = false} : vector<128x2048xf32>, vector<2048x256xf32>, vector<128x256xf32> -> vector<128x256xf32>
        %get3A_135 = arith.constant 0 : index
        %get3A_136 = arith.constant 0 : index
        %get3A_137 = vector.load %arg4[%get3A_135, %get3A_136] : memref<128x128xf32, #tpu.memory_space<vmem>>, vector<128x128xf32>
        %slice3A = vector.extract_strided_slice %dot_general3A_134 {offsets = [0, 0], sizes = [128, 128], strides = [1, 1]} : vector<128x256xf32> to vector<128x128xf32>
        %slice3A_138 = vector.extract_strided_slice %dot_general3A_134 {offsets = [0, 128], sizes = [128, 128], strides = [1, 1]} : vector<128x256xf32> to vector<128x128xf32>
        %add3A_139 = arith.addf %slice3A, %slice3A_138 : vector<128x128xf32>
        %add3A_140 = arith.addf %get3A_137, %add3A_139 : vector<128x128xf32>
        %swap3A_141 = arith.constant 0 : index
        %swap3A_142 = arith.constant 0 : index
        %swap3A_143 = vector.load %arg4[%swap3A_141, %swap3A_142] : memref<128x128xf32, #tpu.memory_space<vmem>>, vector<128x128xf32>
        tpu.vector_store %arg4[%swap3A_141, %swap3A_142], %add3A_140 {strides = array<i32>} : memref<128x128xf32, #tpu.memory_space<vmem>>, vector<128x128xf32>,
        %get3A_144 = arith.constant 0 : index
        %get3A_145 = arith.constant 0 : index
        %get3A_146 = vector.load %arg5[%get3A_144, %get3A_145] : memref<128x1xf32, #tpu.memory_space<vmem>>, vector<128x1xf32>
        %reduce_sum3A = arith.constant dense<0.000000e+00> : vector<128xf32>
        %reduce_sum3A_147 = vector.multi_reduction <add>, %convert_element_type3A_125, %reduce_sum3A [1] : vector<128x2048xf32> to vector<128xf32>
        %broadcast_in_dim3A_148 = vector.shape_cast %reduce_sum3A_147 : vector<128xf32> to vector<128x1xf32>
        %add3A_149 = arith.addf %get3A_146, %broadcast_in_dim3A_148 : vector<128x1xf32>
        %swap3A_150 = arith.constant 0 : index
        %swap3A_151 = arith.constant 0 : index
        %swap3A_152 = vector.load %arg5[%swap3A_150, %swap3A_151] : memref<128x1xf32, #tpu.memory_space<vmem>>, vector<128x1xf32>
        tpu.vector_store %arg5[%swap3A_150, %swap3A_151], %add3A_149 {strides = array<i32>} : memref<128x1xf32, #tpu.memory_space<vmem>>, vector<128x1xf32>,
      } else {
      }
      %mul3A_81 = arith.constant 4 : i32
      %mul3A_82 = arith.muli %mul3A_81, %while3A_57 : i32
      %add3A_83 = arith.constant 3 : i32
      %add3A_84 = arith.addi %mul3A_82, %add3A_83 : i32
      %lt3A_85 = arith.cmpi slt, %add3A_84, %sub3A : i32
      %convert_element_type3A_86 = arith.extui %lt3A_85 : i1 to i32
      %cond3A_87 = arith.constant 0 : i32
      %cond3A_88 = arith.cmpi ne, %convert_element_type3A_86, %cond3A_87 : i32
      scf.if %cond3A_88 {
        %add3A_89 = arith.constant 4 : i32
        %add3A_90 = arith.addi %add3A_84, %add3A_89 : i32
        %sub3A_91 = arith.constant 1 : i32
        %sub3A_92 = arith.subi %add3A_90, %sub3A_91 : i32
        %lt3A_93 = arith.cmpi slt, %sub3A_92, %sub3A : i32
        %convert_element_type3A_94 = arith.extui %lt3A_93 : i1 to i32
        %cond3A_95 = arith.constant 0 : i32
        %cond3A_96 = arith.cmpi ne, %convert_element_type3A_94, %cond3A_95 : i32
        scf.if %cond3A_96 {
          %add3A_153 = arith.addi %get3A_0, %sub3A_92 : i32
          %mul3A_154 = arith.constant 2048 : i32
          %mul3A_155 = arith.muli %add3A_153, %mul3A_154 : i32
          %add3A_156 = arith.constant 209408 : i32
          %add3A_157 = arith.addi %add3A_156, %mul3A_155 : i32
          %dma_start3A = arith.constant 2 : i32
          %dma_start3A_158 = arith.constant 2 : i32
          %dma_start3A_159 = tpu.memref_slice %arg8[%dma_start3A_158] : memref<4x!tpu.dma_semaphore, #tpu.memory_space<semaphore_mem>> -> memref<1x!tpu.dma_semaphore, #tpu.memory_space<semaphore_mem>>
          %dma_start3A_160 = tpu.memref_squeeze %dma_start3A_159 : memref<1x!tpu.dma_semaphore, #tpu.memory_space<semaphore_mem>> -> memref<!tpu.dma_semaphore, #tpu.memory_space<semaphore_mem>>
          %dma_start3A_161 = arith.constant 0 : i32
          %dma_start3A_162 = arith.constant 0 : i32
          %dma_start3A_163 = tpu.memref_slice %arg6[%dma_start3A, %dma_start3A_161, %dma_start3A_162] : memref<4x2048x128xf32, #tpu.memory_space<vmem>> -> memref<1x2048x128xf32, #tpu.memory_space<vmem>>
          %dma_start3A_164 = tpu.memref_squeeze %dma_start3A_163 : memref<1x2048x128xf32, #tpu.memory_space<vmem>> -> memref<2048x128xf32, #tpu.memory_space<vmem>>
          %dma_start3A_165 = arith.constant 0 : i32
          %dma_start3A_166 = tpu.memref_slice %arg2[%add3A_157, %dma_start3A_165] : memref<320000x128xf32, #tpu.memory_space<any>> -> memref<2048x128xf32, #tpu.memory_space<any>>
          tpu.enqueue_dma source(%dma_start3A_166 : memref<2048x128xf32, #tpu.memory_space<any>>) target(%dma_start3A_164 : memref<2048x128xf32, #tpu.memory_space<vmem>>) target_semaphore(%dma_start3A_160 : memref<!tpu.dma_semaphore, #tpu.memory_space<semaphore_mem>>)
          %dma_start3A_167 = arith.constant 2 : i32
          %dma_start3A_168 = arith.constant 2 : i32
          %dma_start3A_169 = tpu.memref_slice %arg9[%dma_start3A_168] : memref<4x!tpu.dma_semaphore, #tpu.memory_space<semaphore_mem>> -> memref<1x!tpu.dma_semaphore, #tpu.memory_space<semaphore_mem>>
          %dma_start3A_170 = tpu.memref_squeeze %dma_start3A_169 : memref<1x!tpu.dma_semaphore, #tpu.memory_space<semaphore_mem>> -> memref<!tpu.dma_semaphore, #tpu.memory_space<semaphore_mem>>
          %dma_start3A_171 = arith.constant 0 : i32
          %dma_start3A_172 = tpu.memref_slice %arg7[%dma_start3A_167, %dma_start3A_171] : memref<4x2048xi32, #tpu.memory_space<vmem>> -> memref<1x2048xi32, #tpu.memory_space<vmem>>
          %dma_start3A_173 = tpu.memref_squeeze %dma_start3A_172 : memref<1x2048xi32, #tpu.memory_space<vmem>> -> memref<2048xi32, #tpu.memory_space<vmem>>
          %dma_start3A_174 = tpu.memref_slice %arg3[%add3A_157] : memref<320000xi32, #tpu.memory_space<any>> -> memref<2048xi32, #tpu.memory_space<any>>
          tpu.enqueue_dma source(%dma_start3A_174 : memref<2048xi32, #tpu.memory_space<any>>) target(%dma_start3A_173 : memref<2048xi32, #tpu.memory_space<vmem>>) target_semaphore(%dma_start3A_170 : memref<!tpu.dma_semaphore, #tpu.memory_space<semaphore_mem>>)
        } else {
        }
        %add3A_97 = arith.addi %get3A_0, %add3A_84 : i32
        %mul3A_98 = arith.constant 2048 : i32
        %mul3A_99 = arith.muli %add3A_97, %mul3A_98 : i32
        %add3A_100 = arith.constant 209408 : i32
        %add3A_101 = arith.addi %add3A_100, %mul3A_99 : i32
        %dma_wait3A = arith.constant 3 : i32
        %dma_wait3A_102 = arith.constant 3 : i32
        %dma_wait3A_103 = tpu.memref_slice %arg8[%dma_wait3A_102] : memref<4x!tpu.dma_semaphore, #tpu.memory_space<semaphore_mem>> -> memref<1x!tpu.dma_semaphore, #tpu.memory_space<semaphore_mem>>
        %dma_wait3A_104 = tpu.memref_squeeze %dma_wait3A_103 : memref<1x!tpu.dma_semaphore, #tpu.memory_space<semaphore_mem>> -> memref<!tpu.dma_semaphore, #tpu.memory_space<semaphore_mem>>
        %dma_wait3A_105 = arith.constant 0 : i32
        %dma_wait3A_106 = arith.constant 0 : i32
        %dma_wait3A_107 = tpu.memref_slice %arg6[%dma_wait3A, %dma_wait3A_105, %dma_wait3A_106] : memref<4x2048x128xf32, #tpu.memory_space<vmem>> -> memref<1x2048x128xf32, #tpu.memory_space<vmem>>
        %dma_wait3A_108 = tpu.memref_squeeze %dma_wait3A_107 : memref<1x2048x128xf32, #tpu.memory_space<vmem>> -> memref<2048x128xf32, #tpu.memory_space<vmem>>
        %dma_wait3A_109 = arith.constant 0 : i32
        %dma_wait3A_110 = tpu.memref_slice %arg2[%add3A_101, %dma_wait3A_109] : memref<320000x128xf32, #tpu.memory_space<any>> -> memref<2048x128xf32, #tpu.memory_space<any>>
        tpu.wait_dma2 semaphore(%dma_wait3A_104 : memref<!tpu.dma_semaphore, #tpu.memory_space<semaphore_mem>>) src(%dma_wait3A_110 : memref<2048x128xf32, #tpu.memory_space<any>>) dst(%dma_wait3A_108 : memref<2048x128xf32, #tpu.memory_space<vmem>>)
        %dma_wait3A_111 = arith.constant 3 : i32
        %dma_wait3A_112 = arith.constant 3 : i32
        %dma_wait3A_113 = tpu.memref_slice %arg9[%dma_wait3A_112] : memref<4x!tpu.dma_semaphore, #tpu.memory_space<semaphore_mem>> -> memref<1x!tpu.dma_semaphore, #tpu.memory_space<semaphore_mem>>
        %dma_wait3A_114 = tpu.memref_squeeze %dma_wait3A_113 : memref<1x!tpu.dma_semaphore, #tpu.memory_space<semaphore_mem>> -> memref<!tpu.dma_semaphore, #tpu.memory_space<semaphore_mem>>
        %dma_wait3A_115 = arith.constant 0 : i32
        %dma_wait3A_116 = tpu.memref_slice %arg7[%dma_wait3A_111, %dma_wait3A_115] : memref<4x2048xi32, #tpu.memory_space<vmem>> -> memref<1x2048xi32, #tpu.memory_space<vmem>>
        %dma_wait3A_117 = tpu.memref_squeeze %dma_wait3A_116 : memref<1x2048xi32, #tpu.memory_space<vmem>> -> memref<2048xi32, #tpu.memory_space<vmem>>
        %dma_wait3A_118 = tpu.memref_slice %arg3[%add3A_101] : memref<320000xi32, #tpu.memory_space<any>> -> memref<2048xi32, #tpu.memory_space<any>>
        tpu.wait_dma2 semaphore(%dma_wait3A_114 : memref<!tpu.dma_semaphore, #tpu.memory_space<semaphore_mem>>) src(%dma_wait3A_118 : memref<2048xi32, #tpu.memory_space<any>>) dst(%dma_wait3A_117 : memref<2048xi32, #tpu.memory_space<vmem>>)
        %get3A_119 = arith.constant 3 : index
        %get3A_120 = arith.constant 0 : index
        %get3A_121 = vector.load %arg7[%get3A_119, %get3A_120] : memref<4x2048xi32, #tpu.memory_space<vmem>>, vector<1x2048xi32>
        %get3A_122 = vector.shape_cast %get3A_121 : vector<1x2048xi32> to vector<2048xi32>
        %reshape3A = vector.shape_cast %get3A_122 : vector<2048xi32> to vector<1x2048xi32>
        %eq3A = vector.broadcast %reshape3A : vector<1x2048xi32> to vector<128x2048xi32>
        %eq3A_123 = arith.cmpi eq, %add3A_26, %eq3A : vector<128x2048xi32>
        %convert_element_type3A_124 = arith.extui %eq3A_123 : vector<128x2048xi1> to vector<128x2048xi32>
        %convert_element_type3A_125 = arith.sitofp %convert_element_type3A_124 : vector<128x2048xi32> to vector<128x2048xf32>
        %get3A_126 = arith.constant 3 : index
        %get3A_127 = arith.constant 0 : index
        %get3A_128 = arith.constant 0 : index
        %get3A_129 = vector.load %arg6[%get3A_126, %get3A_127, %get3A_128] : memref<4x2048x128xf32, #tpu.memory_space<vmem>>, vector<1x2048x128xf32>
        %get3A_130 = vector.shape_cast %get3A_129 : vector<1x2048x128xf32> to vector<2048x128xf32>
        %convert_element_type3A_131 = arith.truncf %get3A_130 : vector<2048x128xf32> to vector<2048x128xbf16>
        %convert_element_type3A_132 = arith.extf %convert_element_type3A_131 : vector<2048x128xbf16> to vector<2048x128xf32>
        %sub3A_133 = arith.subf %get3A_130, %convert_element_type3A_132 : vector<2048x128xf32>
        %concatenate3A = tpu.concatenate %convert_element_type3A_132, %sub3A_133 in 1 : vector<2048x128xf32>, vector<2048x128xf32> -> vector<2048x256xf32>
        %dot_general3A = arith.constant dense<0.000000e+00> : vector<128x256xf32>
        %dot_general3A_134 = tpu.matmul %convert_element_type3A_125, %concatenate3A, %dot_general3A {dimension_numbers = #tpu.dot_dimension_numbers<[1], [0], [0], [1], [0, 0, 1, 1], [], []>, transpose_lhs_hint = false} : vector<128x2048xf32>, vector<2048x256xf32>, vector<128x256xf32> -> vector<128x256xf32>
        %get3A_135 = arith.constant 0 : index
        %get3A_136 = arith.constant 0 : index
        %get3A_137 = vector.load %arg4[%get3A_135, %get3A_136] : memref<128x128xf32, #tpu.memory_space<vmem>>, vector<128x128xf32>
        %slice3A = vector.extract_strided_slice %dot_general3A_134 {offsets = [0, 0], sizes = [128, 128], strides = [1, 1]} : vector<128x256xf32> to vector<128x128xf32>
        %slice3A_138 = vector.extract_strided_slice %dot_general3A_134 {offsets = [0, 128], sizes = [128, 128], strides = [1, 1]} : vector<128x256xf32> to vector<128x128xf32>
        %add3A_139 = arith.addf %slice3A, %slice3A_138 : vector<128x128xf32>
        %add3A_140 = arith.addf %get3A_137, %add3A_139 : vector<128x128xf32>
        %swap3A_141 = arith.constant 0 : index
        %swap3A_142 = arith.constant 0 : index
        %swap3A_143 = vector.load %arg4[%swap3A_141, %swap3A_142] : memref<128x128xf32, #tpu.memory_space<vmem>>, vector<128x128xf32>
        tpu.vector_store %arg4[%swap3A_141, %swap3A_142], %add3A_140 {strides = array<i32>} : memref<128x128xf32, #tpu.memory_space<vmem>>, vector<128x128xf32>,
        %get3A_144 = arith.constant 0 : index
        %get3A_145 = arith.constant 0 : index
        %get3A_146 = vector.load %arg5[%get3A_144, %get3A_145] : memref<128x1xf32, #tpu.memory_space<vmem>>, vector<128x1xf32>
        %reduce_sum3A = arith.constant dense<0.000000e+00> : vector<128xf32>
        %reduce_sum3A_147 = vector.multi_reduction <add>, %convert_element_type3A_125, %reduce_sum3A [1] : vector<128x2048xf32> to vector<128xf32>
        %broadcast_in_dim3A_148 = vector.shape_cast %reduce_sum3A_147 : vector<128xf32> to vector<128x1xf32>
        %add3A_149 = arith.addf %get3A_146, %broadcast_in_dim3A_148 : vector<128x1xf32>
        %swap3A_150 = arith.constant 0 : index
        %swap3A_151 = arith.constant 0 : index
        %swap3A_152 = vector.load %arg5[%swap3A_150, %swap3A_151] : memref<128x1xf32, #tpu.memory_space<vmem>>, vector<128x1xf32>
        tpu.vector_store %arg5[%swap3A_150, %swap3A_151], %add3A_149 {strides = array<i32>} : memref<128x1xf32, #tpu.memory_space<vmem>>, vector<128x1xf32>,
      } else {
      }
    }
    return
  }
  func.func @transform_2(%arg0: i32, %arg1: memref<160xi32, #tpu.memory_space<smem>>) -> (i32, i32) {
    %c0_i32 = arith.constant 0 : i32
    %c0_i32_0 = arith.constant 0 : i32
    return %arg0, %c0_i32 : i32, i32
  }
  func.func @transform_3(%arg0: i32, %arg1: memref<160xi32, #tpu.memory_space<smem>>) -> (i32, i32) {
    %c0_i32 = arith.constant 0 : i32
    %c0_i32_0 = arith.constant 0 : i32
    return %arg0, %c0_i32 : i32, i32
  }
}

</mosaic_0001>

<sc_bundles>
// kernel: kernel.5.cloned.1.call-start
scs
__scs_entry_jumppad:
0x0: {  	(pc) =	sbr.rel $0x88, $3  }
0x1: {  	(tag) =	ssettag $0x0;
	lr =	simm.s32 $0x1  }
0x2: {  	[smem:$0x3F9F] =	sst lr;
	_ =	strace $0xD0000000  }
0x3: {  	_ = 	snop  }
0x4: {  	_ = 	snop  }
0x5: {  	_ = 	snop  }
0x6: {  	_ = 	snop  }
0x7: {  	_ = 	snop  }
__scs_overlays_trampoline_lowered:
0x8: {  	[smem:$0x3FAE] =	sst s0  }
0x9: {  	[smem:$0x3FAF] =	sst s1  }
0xa: {  	[smem:$0x3FB0] =	sst s2  }
0xb: {  	[smem:$0x3FB1] =	sst s3  }
0xc: {  	[smem:$0x3FB2] =	sst s4  }
0xd: {  	[smem:$0x3FB3] =	sst s5  }
0xe: {  	[smem:$0x3FB4] =	sst s6  }
0xf: {  	[smem:$0x3FB5] =	sst s7  }
0x10: {  	[smem:$0x3FB6] =	sst s8  }
0x11: {  	[smem:$0x3FB7] =	sst s9;
	s0 =	simm.s32 @!p0 $0x0  }
0x12: {  	s1 =	sld [smem:$0x3F9D];
	s0 =	simm.s32 @p0 $0x1  }
0x13: {  	[smem:$0x3FB8] =	sst s0;
	s0 =	simm.s32 @!p1 $0x0  }
0x14: {  	s2 =	sld [smem:$0x3F9C];
	s0 =	simm.s32 @p1 $0x1  }
0x15: {  	[smem:$0x3FB9] =	sst s0;
	s0 =	simm.s32 @!p2 $0x0  }
0x16: {  	s3 =	sld [smem:$0x3FDB];
	s0 =	simm.s32 @p2 $0x1  }
0x17: {  	s4 =	simm.s32 $0x1BF5;
	[smem:$0x3FBB] =	sst s0  }
0x18: {  	s0 =	sld [smem:$0x3F9E];
	_ =	swait.ge [sflag:s4], $0x0  }
0x19: {  	s7 =	sld [smem:$0x3F9F]  }
0x1a: {  	s8 =	sadd.s32 $0xFFFFE003, lr  }
0x1b: {  	s9 =	sadd.s32 $0xFFFFFEF7, lr;
	s5 =	simm.s32 $0xFFFFFFFF;
	p2 =	slt.u32 s8, $0xFFFFF086  }
0x1c: {  	p1 =	slt.u32 s9, $0xF7A;
	s5 =	simm.s32 @!p2 $0x0  }
0x1d: {  	s5 =	simm.s32 @p1 $0x1;
	p0 =	seq.s32 s7, s2  }
0x1e: {  	s7 =	smul.u32 @!p0 $0xF7A, s2;
	p2 =	seq.s32 @!p0 s5, $0x0  }
0x1f: {  	s9 =	smul.u32 $0xF7A, s1;
	s8 =	simm.s32 @!p0 $0x1BF5;
	p2 =	por !p2, p0  }
0x20: {  	[sflag:s8] =	ssyncset.s32 @!p0 $0xFFFFF086;
	s6 =	sadd.s32 @!p0 s3, s7;
	s7 =	simm.s32 @!p0 $0x108  }
0x21: {  	s3 =	sadd.s32 s3, s9;
	s6 =	sadd.s32 @!p0 $0x88, s6;
	s7 =	simm.s32 @p2 $0x1082  }
0x22: {  	[simem:s7], [sflag:s8] =	dma.local @!p0 [hbm:s6], $0xF7A  }
0x23: {  	s9 =	sor.u32 $0xD0000000, s2;
	s6 =	simm.s32 $0x108;
	_ =	swait.ge @!p0 [sflag:s8], $0x0  }
0x24: {  	s3 =	sadd.s32 $0x88, s3;
	s6 =	simm.s32 @!p1 $0x1082;
	[sflag:s4] =	ssyncset.s32 $0xFFFFF086  }
0x25: {  	[simem:s6], [sflag:s4] =	dma.local [hbm:s3], $0xF7A  }
0x26: {  	[smem:$0x3F9F] =	sst s1;
	(tag) =	ssettag s2;
	_ =	strace s9  }
0x27: {  	s1 =	sld [smem:$0x3FAF]  }
0x28: {  	s2 =	sld [smem:$0x3FB0]  }
0x29: {  	s4 =	sld [smem:$0x3FB2]  }
0x2a: {  	p0 =	seq.s32 s5, $0x0;
	s5 =	sld [smem:$0x3FB3]  }
0x2b: {  	s6 =	sld [smem:$0x3FB4]  }
0x2c: {  	s7 =	sld [smem:$0x3FB5]  }
0x2d: {  	s3 =	simm.s32 $0x108;
	s8 =	sld [smem:$0x3FB6]  }
0x2e: {  	s3 =	simm.s32 @!p0 $0x1082;
	s9 =	sld [smem:$0x3FB7]  }
0x2f: {  	lr =	sadd.s32 s0, s3;
	s0 =	sld [smem:$0x3FAE]  }
0x30: {  	s3 =	sld [smem:$0x3FB1]  }
0x31: {  	[smem:$0x3FBA] =	sst s10  }
0x32: {  	s10 =	sld [smem:$0x3FB8];
	_ =	sdelay $0x3  }
0x33: {  	p0 =	seq.s32 s10, $0x1;
	s10 =	sld [smem:$0x3FBA];
	_ =	sdelay $0x3  }
0x34: {  	[smem:$0x3FBA] =	sst s10  }
0x35: {  	s10 =	sld [smem:$0x3FB9];
	_ =	sdelay $0x3  }
0x36: {  	p1 =	seq.s32 s10, $0x1;
	s10 =	sld [smem:$0x3FBA];
	_ =	sdelay $0x3  }
0x37: {  	[smem:$0x3FBA] =	sst s10  }
0x38: {  	s10 =	sld [smem:$0x3FBB]  }
0x39: {  	_ = 	snop;
	(pc) =	sbr.ind lr, $3  }
0x3a: {  	_ = 	snop  }
0x3b: {  	_ = 	snop  }
0x3c: {  	p2 =	seq.s32 s10, $0x1;
	s10 =	sld [smem:$0x3FBA]  }
0x3d: {  	_ =	shalt  }
0x3e: {  	_ =	shalt  }
0x3f: {  	_ =	shalt  }
0x40: {  	_ =	shalt  }
0x41: {  	_ =	shalt  }
0x42: {  	_ =	shalt  }
0x43: {  	_ =	shalt  }
0x44: {  	_ =	shalt  }
0x45: {  	_ =	shalt  }
0x46: {  	_ =	shalt  }
0x47: {  	_ =	shalt  }
0x48: {  	_ =	shalt  }
0x49: {  	_ =	shalt  }
0x4a: {  	_ =	shalt  }
0x4b: {  	_ =	shalt  }
0x4c: {  	_ =	shalt  }
0x4d: {  	_ =	shalt  }
0x4e: {  	_ =	shalt  }
0x4f: {  	_ =	shalt  }
0x50: {  	_ =	shalt  }
0x51: {  	_ =	shalt  }
0x52: {  	_ =	shalt  }
0x53: {  	_ =	shalt  }
0x54: {  	_ =	shalt  }
0x55: {  	_ =	shalt  }
0x56: {  	_ =	shalt  }
0x57: {  	_ =	shalt  }
0x58: {  	_ =	shalt  }
0x59: {  	_ =	shalt  }
0x5a: {  	_ =	shalt  }
0x5b: {  	_ =	shalt  }
0x5c: {  	_ =	shalt  }
0x5d: {  	_ =	shalt  }
0x5e: {  	_ =	shalt  }
0x5f: {  	_ =	shalt  }
0x60: {  	_ =	shalt  }
0x61: {  	_ =	shalt  }
0x62: {  	_ =	shalt  }
0x63: {  	_ =	shalt  }
0x64: {  	_ =	shalt  }
0x65: {  	_ =	shalt  }
0x66: {  	_ =	shalt  }
0x67: {  	_ =	shalt  }
0x68: {  	_ =	shalt  }
0x69: {  	_ =	shalt  }
0x6a: {  	_ =	shalt  }
0x6b: {  	_ =	shalt  }
0x6c: {  	_ =	shalt  }
0x6d: {  	_ =	shalt  }
0x6e: {  	_ =	shalt  }
0x6f: {  	_ =	shalt  }
0x70: {  	_ =	shalt  }
0x71: {  	_ =	shalt  }
0x72: {  	_ =	shalt  }
0x73: {  	_ =	shalt  }
0x74: {  	_ =	shalt  }
0x75: {  	_ =	shalt  }
0x76: {  	_ =	shalt  }
0x77: {  	_ =	shalt  }
0x78: {  	_ =	shalt  }
0x79: {  	_ =	shalt  }
0x7a: {  	_ =	shalt  }
0x7b: {  	_ =	shalt  }
0x7c: {  	_ =	shalt  }
0x7d: {  	_ =	shalt  }
0x7e: {  	_ =	shalt  }
0x7f: {  	_ =	shalt  }
0x80: {  	_ =	shalt  }
0x81: {  	_ =	shalt  }
0x82: {  	_ =	shalt  }
0x83: {  	_ =	shalt  }
0x84: {  	_ =	shalt  }
0x85: {  	_ =	shalt  }
0x86: {  	_ =	shalt  }
0x87: {  	_ =	shalt  }
.Lfunc_end0:
.L_simem_size_0:
called_computation_lowered:
.L_overlay_start_0:
0x88: {  	s2 =	sld [smem:$0x3FD9]  }
0x89: {  	s3 =	sld [smem:$0x3FFE];
	_ =	sdelay $0x1  }
0x8a: {  	s1 =	srdreg.scid  }
0x8b: {  	s0 =	sand.u32 $0x1, s1  }
0x8c: {  	s17 =	sshll.u32 s0, $0xA;
	s2 =	sadd.s32 s3, s2  }
0x8d: {  	s2 =	sadd.s32 s2, s17  }
0x8e: {  	[smem:$0x3FC6] =	sst s2  }
0x8f: {  	_ = 	snop  }
0x90: {  	s2 =	sld [smem:$0x3FC9]  }
0x91: {  	s18 =	sld [smem:$0x3FC8]  }
0x92: {  	s4 =	sld [smem:$0x3FD0];
	(tm) =	ssettm $0x1  }
0x93: {  	s5 =	sld [smem:$0x3FFB];
	_ =	sdelay $0x3  }
0x94: {  	_ =	strace s5  }
0x95: {  	s5 =	sld [smem:$0x3FFC];
	_ =	sdelay $0x3  }
0x96: {  	_ =	strace s5  }
0x97: {  	s5 =	sld [smem:$0x3FFD];
	_ =	sdelay $0x3  }
0x98: {  	_ =	strace s5  }
0x99: {  	_ =	strace $0x8FFFFFFF  }
0x9a: {  	s19 =	sld [smem:$0x3FDB];
	_ =	sdelay $0x1  }
0x9b: {  	s6 =	simm.s32 $_scs_section_size  }
0x9c: {  	s7 =	simm.s32 $_size__tile_overlayer_lowered;
	s8 =	simm.s32 $_tile_overlayer_lowered  }
0x9d: {  	s22 =	simm.s32 $0x1BFF;
	s21 =	sshll.u32 s8, $0x1;
	s5 =	sadd.s32 s6, s19  }
0x9e: {  	s9 =	simm.s32 $0x0;
	s20 =	sshll.u32 s7, $0x1;
	s7 =	sadd.s32 s21, s5  }
0x9f: {  	[timem:s9], [sflag:s22] =	dma.local [hbm:s7], s20  }
0xa0: {  	_ =	swait.ge [sflag:s22], s20  }
0xa1: {  	s6 =	ssub.s32 $0x0, s20;
	[sflag:s22] =	ssyncset.done $0x0  }
0xa2: {  	[sflag:s22] =	ssyncadd.s32 s6;
	_ =	sdelay $0x1  }
0xa3: {  	s23 =	simm.s32 $0x1B8B  }
0xa4: {  	_ =	swait.ge [sflag:s23], $0x1  }
0xa5: {  	[sflag:s23] =	ssyncset.done $0x0  }
0xa6: {  	s25 =	simm.s32 $0x1B8E;
	s24 =	sld [smem:$0x3FFE];
	[sflag:s23] =	ssyncadd.s32 $0xFFFFFFFF  }
0xa7: {  	s26 =	simm.s32 $execute0_lowered;
	[smem:$0x3FD2] =	sst s25  }
0xa8: {  	s7 =	sshll.u32 s26, $0x1;
	_ =	strace $0x80000046;
	[dreg:$0x1] =	wrdreg $0xFFFFFFFF  }
0xa9: {  	s28 =	simm.s32 $_size_execute0_lowered;
	s5 =	sadd.s32 s5, s7;
	[dreg:$0x0] =	wrdreg $0x0  }
0xaa: {  	s7 =	sshll.u32 s28, $0x1;
	[dreg:$0x2] =	wrdreg s5  }
0xab: {  	[dreg:$0x3] =	wrdreg s7  }
0xac: {  	[dreg:$0x4] =	wrdreg $0xC0  }
0xad: {  	_ =	task [dreg:s9], $0x5FFFF  }
0xae: {  	[dreg:$0x1] =	wrdreg $0xFFFFFFFF  }
0xaf: {  	[dreg:$0x0] =	wrdreg $0x60  }
0xb0: {  	[dreg:$0x2] =	wrdreg s2  }
0xb1: {  	[dreg:$0x3] =	wrdreg s18  }
0xb2: {  	[dreg:$0x4] =	wrdreg s24  }
0xb3: {  	[dreg:$0x5] =	wrdreg s4  }
0xb4: {  	[dreg:$0x6] =	wrdreg $0x0  }
0xb5: {  	[dreg:$0x7] =	wrdreg $0x140000  }
0xb6: {  	[dreg:$0x8] =	wrdreg $0x9  }
0xb7: {  	_ =	task.clear_ibuf [dreg:s9], $0x9FFFF;
	_ =	strace $0x90000046  }
0xb8: {  	s29 =	simm.s32 $0x9;
	_ =	strace $0x80000048  }
0xb9: {  	_ =	swait.ge [sflag:s29], $0x1  }
0xba: {  	[sflag:s29] =	ssyncadd.s32 $0xFFFFFFFF  }
0xbb: {  	_ =	strace $0x90000048  }
0xbc: {  	_ =	sfence  }
0xbd: {  	s30 =	sld [smem:$0x0];
	_ =	sdelay $0x2  }
0xbe: {  	s31 =	sshll.u32 s1, $0xD;
	s1 =	sshrl.u32 s1, $0x2  }
0xbf: {  	s3 =	sand.u32 $0x4000, s31;
	s1 =	sadd.s32 s1, s30  }
0xc0: {  	s0 =	sor.u32 s3, s0;
	s1 =	sshll.u32 s1, $0x11  }
0xc1: {  	s0 =	sor.u32 s1, s0  }
0xc2: {  	s0 =	sadd.s32 $0x8F2B, s0  }
0xc3: {  	[sflag:s0] =	ssyncadd.remote.s32 $0x1  }
0xc4: {  	_ =	sfence.sel $0xFFFF  }
0xc5: {  	[dreg:$0x0] =	wrdreg $0xFFFFFFFF;
	(pc) =	sbr.abs _section_cstart, $3  }
0xc6: {  	[dreg:$0x1] =	wrdreg $0xFFFFFFFF  }
0xc7: {  	_ =	task.clear_ibuf [dreg:s9], $0x2FFFF;
	_ =	strace $0x9FFFFFFF  }
0xc8: {  	(tm) =	ssettm $0x7FFFFFFF  }
0xc9: {  	_ =	shalt  }
tec
execute0_lowered:
.L_overlay_start_1:
0x0: {  	(tag) =	ssettag $0x1  }
0x1: {  	s0 =	rddreg [dreg:$0x0]  }
0x2: {  	s1 =	rddreg [dreg:$0x1]  }
0x3: {  	s5 =	rddreg [dreg:$0x2]  }
0x4: {  	s6 =	rddreg [dreg:$0x3]  }
0x5: {  	s3 =	srdreg.scid;
	s17 =	stileid.u32  }
0x6: {  	s2 =	rddreg [dreg:$0x4];
	s4 =	simm.s32 $0x0;
	s9 =	smul.u32 $0x14000, s17  }
0x7: {  	s28 =	simm.s32 $0x7;
	s30 =	simm.s32 $0x1C280;
	s18 =	smul.u32 $0x50000, s17  }
0x8: {  	s31 =	simm.s32 $0x18280;
	s7 =	sand.u32 $0x1, s3;
	s21 =	smul.u32 $0xA00, s17  }
0x9: {  	s29 =	simm.s32 $0x1;
	s3 =	rddreg [dreg:$0x5];
	s8 =	smul.u32 $0x140000, s7  }
0xa: {  	[smem:$0x7FF] =	sst s4;
	s11 =	sshll.u32 s17, $0x1;
	s24 =	smul.u32 $0x500, s17  }
0xb: {  	_ =	strace $0x80000047;
	s10 =	ssub.s32 $0x2, s7;
	s8 =	sadd.s32 s9, s8  }
0xc: {  	s15 =	sshll.u32 s7, $0x7;
	s19 =	sshrl.u32 s10, $0x1;
	s8 =	sshrl.u32 s8, $0x3  }
0xd: {  	s9 =	sshrl.u32 s18, $0x2;
	s10 =	ssub.s32 s10, s19;
	s8 =	sadd.s32 s8, s5  }
0xe: {  	s5 =	sadd.s32 s9, s2;
	s9 =	sor.u32 s7, s11;
	s11 =	sshrl.u32 s21, $0x2  }
0xf: {  	s21 =	sshll.u32 s17, $0x5;
	s20 =	sadd.s32 $0x4000, s5;
	s12 =	sadd.s32 $0x8000, s5  }
0x10: {  	s22 =	sadd.s32 $0xC000, s5;
	s23 =	sshll.u32 s9, $0xB;
	s13 =	sshll.u32 s9, $0x4  }
0x11: {  	s14 =	ssub.s32 $0x3, s9;
	s26 =	sor.u32 $0x20, s9;
	[dreg:$0x7] =	wrdreg s20  }
0x12: {  	s18 =	sor.u32 $0x40, s9;
	s9 =	sor.u32 $0x660, s9;
	[dreg:$0x8] =	wrdreg s12  }
0x13: {  	[dreg:$0x9] =	wrdreg s22;
	s12 =	sadd.s32 s0, s23;
	s13 =	sadd.s32 s1, s13  }
0x14: {  	s25 =	sand.u32 $0x20, s14;
	s14 =	sshll.u32 s26, $0xB;
	s19 =	sshll.u32 s18, $0xB  }
0x15: {  	s20 =	sshll.u32 s9, $0x4;
	s22 =	sshll.u32 s7, $0x4;
	[dreg:$0xa] =	wrdreg s12  }
0x16: {  	s23 =	sshll.u32 s9, $0xB;
	[dreg:$0xb] =	wrdreg s13;
	s12 =	sor.u32 s15, s24  }
0x17: {  	p0 =	seq.s32 s25, $0x0;
	s15 =	sshll.u32 s26, $0x4;
	s24 =	sshll.u32 s17, $0xC  }
0x18: {  	s25 =	sadd.s32 s0, s19;
	s19 =	sadd.s32 $0x10000, s5;
	s26 =	sshll.u32 s7, $0xB  }
0x19: {  	s12 =	sshrl.u32 s12, $0x3;
	s16 =	sadd.s32 s1, s15;
	[dreg:$0x11] =	wrdreg s25  }
0x1a: {  	s7 =	simm.s32 $0x1C380;
	s6 =	sadd.s32 s6, s12;
	[dreg:$0xe] =	wrdreg s16  }
0x1b: {  	s17 =	simm.s32 $0x10;
	[dreg:$0xc] =	wrdreg s6;
	s6 =	sadd.s32 s0, s14  }
0x1c: {  	[dreg:$0xd] =	wrdreg s6;
	s6 =	sshll.u32 s18, $0x4;
	s18 =	sadd.s32 s0, s23  }
0x1d: {  	s0 =	sadd.s32 s24, s0;
	s23 =	smax.u32 s10, $0x1;
	s24 =	simm.s32 $0x6  }
0x1e: {  	s10 =	simm.s32 $0x4;
	s6 =	sadd.s32 s1, s6;
	s0 =	sadd.s32 s26, s0  }
0x1f: {  	s26 =	simm.s32 $0x14280;
	[dreg:$0xf] =	wrdreg s6;
	s6 =	sadd.s32 s1, s20  }
0x20: {  	s1 =	sadd.s32 s21, s1;
	s20 =	sadd.s32 s11, s3;
	s21 =	sadd.s32 $0x600, s8  }
0x21: {  	s25 =	sadd.s32 $0x40000, s0;
	s0 =	simm.s32 $0x3;
	s8 =	simm.s32 $0x5  }
0x22: {  	s11 =	simm.s32 $0x0;
	[dreg:$0x10] =	wrdreg s6;
	s16 =	sadd.s32 s22, s1  }
0x23: {  	s22 =	simm.s32 $0x6;
	s1 =	simm.s32 $0x1C300;
	s6 =	simm.s32 $0x80  }
0x24: {  	v0 =	vimm.f32 $0.0e+00;
	v1 =	vimm.f32 $1.000000000e+00;
	s22 =	simm.s32 @!p0 $0x5;
	p0 =	sgt.u32 s9, $0x663;
	s9 =	simm.s32 $0x2  }
.LBB2_1:
0x25: {  	s12 =	sand.u32 $0xFE00, s4  }
0x26: {  	s13 =	sand.u32 $0x70, s4;
	s14 =	sshrl.u32 s12, $0x2  }
0x27: {  	s12 =	simm.s32 $0x40;
	s14 =	sor.u32 s13, s14;
	s13 =	simm.s32 $0x0  }
.LBB2_2:
0x28: {  	p1 =	sne.s32 s12, $0xFFC0  }
0x29: {  	[tilespmem:s14+$0x14280] =	vst v0;
	s13 =	sadd.s32 $0x10, s13;
	s14 =	smov.u32 s12;
	s12 =	sadd.s32 $0x40, s12  }
.Ltmp0:
0x2a: {  	(pc) =	sbr.rel @p1 .LBB2_2-.Ltmp0, $4  }
0x2b: {  	_ = 	snop  }
0x2c: {  	s14 =	sand.u32 $0xFE00, s14  }
0x2d: {  	s15 =	sand.u32 $0x70, s13;
	s14 =	sshrl.u32 s14, $0x2  }
0x2e: {  	s14 =	sor.u32 s15, s14  }
0x2f: {  	[tilespmem:s14+$0x14280] =	vst v0  }
0x30: {  	[tilespmem:$0x1C400] =	vst v0  }
0x31: {  	[tilespmem:$0x1C410] =	vst v0  }
0x32: {  	[tilespmem:$0x1C420] =	vst v0  }
0x33: {  	[tilespmem:$0x1C430] =	vst v0  }
0x34: {  	[tilespmem:$0x1C440] =	vst v0  }
0x35: {  	[tilespmem:$0x1C450] =	vst v0  }
0x36: {  	[tilespmem:$0x1C460] =	vst v0  }
0x37: {  	[tilespmem:$0x1C470] =	vst v0  }
0x38: {  	[tilespmem:$0x1C480] =	vst v0  }
0x39: {  	[tilespmem:$0x1C490] =	vst v0  }
0x3a: {  	[tilespmem:$0x1C4A0] =	vst v0  }
0x3b: {  	[tilespmem:$0x1C4B0] =	vst v0  }
0x3c: {  	[tilespmem:$0x1C4C0] =	vst v0  }
0x3d: {  	[tilespmem:$0x1C4D0] =	vst v0  }
0x3e: {  	[tilespmem:$0x1C4E0] =	vst v0  }
0x3f: {  	[tilespmem:$0x1C4F0] =	vst v0  }
0x40: {  	[tilespmem:$0x1C500] =	vst v0  }
0x41: {  	[tilespmem:$0x1C510] =	vst v0  }
0x42: {  	[tilespmem:$0x1C520] =	vst v0  }
0x43: {  	[tilespmem:$0x1C530] =	vst v0  }
0x44: {  	[tilespmem:$0x1C540] =	vst v0  }
0x45: {  	[tilespmem:$0x1C550] =	vst v0  }
0x46: {  	[tilespmem:$0x1C560] =	vst v0  }
0x47: {  	[tilespmem:$0x1C570] =	vst v0  }
0x48: {  	[tilespmem:$0x1C580] =	vst v0  }
0x49: {  	[tilespmem:$0x1C590] =	vst v0  }
0x4a: {  	[tilespmem:$0x1C5A0] =	vst v0  }
0x4b: {  	[tilespmem:$0x1C5B0] =	vst v0  }
0x4c: {  	[tilespmem:$0x1C5C0] =	vst v0  }
0x4d: {  	[tilespmem:$0x1C5D0] =	vst v0  }
0x4e: {  	[tilespmem:$0x1C5E0] =	vst v0  }
0x4f: {  	[tilespmem:$0x1C5F0] =	vst v0  }
0x50: {  	[tilespmem:$0x1C600] =	vst v0  }
0x51: {  	[tilespmem:$0x1C610] =	vst v0  }
0x52: {  	[tilespmem:$0x1C620] =	vst v0  }
0x53: {  	[tilespmem:$0x1C630] =	vst v0  }
0x54: {  	[tilespmem:$0x1C640] =	vst v0  }
0x55: {  	[tilespmem:$0x1C650] =	vst v0  }
0x56: {  	[tilespmem:$0x1C660] =	vst v0  }
0x57: {  	[tilespmem:$0x1C670] =	vst v0  }
0x58: {  	[tilespmem:$0x1C380] =	vst v1  }
0x59: {  	[tilespmem:$0x1C390] =	vst v1  }
0x5a: {  	[tilespmem:$0x1C3A0] =	vst v1  }
0x5b: {  	[tilespmem:$0x1C3B0] =	vst v1  }
0x5c: {  	[tilespmem:$0x1C3C0] =	vst v1  }
0x5d: {  	[tilespmem:$0x1C3D0] =	vst v1  }
0x5e: {  	[tilespmem:$0x1C3E0] =	vst v1  }
0x5f: {  	[tilespmem:$0x1C3F0] =	vst v1  }
0x60: {  	[spmem:s5] =	stream.linear.scatter [tilespmem:s26], [sflag:$0x7], $0x4000, $0x38;
	[tilespmem:$0x1C680] =	vst v63  }
0x61: {  	_ =	swait.ge [sflag:s28], $0x4000  }
0x62: {  	[sflag:s28] =	ssyncset.done $0x0  }
0x63: {  	s12 =	rddreg [dreg:$0x7];
	[sflag:s28] =	ssyncadd.s32 $0xFFFFC000  }
0x64: {  	[spmem:s12] =	stream.linear.scatter [tilespmem:s26], [sflag:$0x7], $0x4000, $0x38;
	[tilespmem:$0x1C680] =	vst v63  }
0x65: {  	_ =	swait.ge [sflag:s28], $0x4000  }
0x66: {  	[sflag:s28] =	ssyncset.done $0x0  }
0x67: {  	s15 =	rddreg [dreg:$0x8];
	[sflag:s28] =	ssyncadd.s32 $0xFFFFC000  }
0x68: {  	[spmem:s15] =	stream.linear.scatter [tilespmem:s26], [sflag:$0x7], $0x4000, $0x38;
	[tilespmem:$0x1C680] =	vst v63  }
0x69: {  	_ =	swait.ge [sflag:s28], $0x4000  }
0x6a: {  	[sflag:s28] =	ssyncset.done $0x0  }
0x6b: {  	s13 =	rddreg [dreg:$0x9];
	[sflag:s28] =	ssyncadd.s32 $0xFFFFC000  }
0x6c: {  	[spmem:s13] =	stream.linear.scatter [tilespmem:s26], [sflag:$0x7], $0x4000, $0x38;
	[tilespmem:$0x1C680] =	vst v63  }
0x6d: {  	_ =	swait.ge [sflag:s28], $0x4000  }
0x6e: {  	[sflag:s28] =	ssyncset.done $0x0  }
0x6f: {  	[sflag:s28] =	ssyncadd.s32 $0xFFFFC000  }
0x70: {  	[spmem:s19] =	stream.linear.scatter [tilespmem:s26], [sflag:$0x7], $0x4000, $0x38;
	[tilespmem:$0x1C680] =	vst v63  }
0x71: {  	_ =	swait.ge [sflag:s28], $0x4000  }
0x72: {  	[sflag:s28] =	ssyncset.done $0x0  }
0x73: {  	s14 =	simm.s32 $0x1C400;
	[sflag:s28] =	ssyncadd.s32 $0xFFFFC000  }
0x74: {  	[spmem:s20] =	stream.linear.scatter [tilespmem:s14], [sflag:$0x7], $0x280, $0x38;
	[tilespmem:$0x1C680] =	vst v63  }
0x75: {  	_ =	swait.ge [sflag:s28], $0x280  }
0x76: {  	[sflag:s28] =	ssyncset.done $0x0  }
0x77: {  	[sflag:s28] =	ssyncadd.s32 $0xFFFFFD80  }
0x78: {  	[bflag:$0x0] =	sbarrier.arrive $0xFFFF  }
0x79: {  	s12 =	simm.s32 $0x0;
	s13 =	rddreg [dreg:$0xa]  }
0x7a: {  	[tilespmem:s26], [sflag:$0x1] =	stream.linear.gather [hbm4b:s13+s12], $0x4000, $0x38;
	[tilespmem:$0x1C680] =	vst v63  }
0x7b: {  	s15 =	rddreg [dreg:$0xb]  }
0x7c: {  	[tilespmem:s30], [sflag:$0x3] =	stream.linear.gather [hbm4b:s15+s12], $0x80, $0x38;
	[tilespmem:$0x1C680] =	vst v63  }
0x7d: {  	s14 =	rddreg [dreg:$0xd]  }
0x7e: {  	[tilespmem:s31], [sflag:$0x2] =	stream.linear.gather [hbm4b:s14+s12], $0x4000, $0x38;
	[tilespmem:$0x1C680] =	vst v63  }
0x7f: {  	s15 =	rddreg [dreg:$0xe]  }
0x80: {  	[tilespmem:s1], [sflag:$0x4] =	stream.linear.gather [hbm4b:s15+s12], $0x80, $0x38;
	[tilespmem:$0x1C680] =	vst v63  }
0x81: {  	_ =	swait.ge [sflag:s29], $0x4000  }
0x82: {  	[sflag:s29] =	ssyncset.done $0x0  }
0x83: {  	[sflag:s29] =	ssyncadd.s32 $0xFFFFC000  }
0x84: {  	_ =	swait.ge [sflag:s0], $0x80  }
0x85: {  	[sflag:s0] =	ssyncset.done $0x0  }
0x86: {  	[sflag:s0] =	ssyncadd.s32 $0xFFFFFF80  }
0x87: {  	[spmem:s2] =	stream.indirect.scatter.add.f32 [tilespmem:s26], [sflag:$0x7], $0x80, s30, s6, $0xb8;
	[tilespmem:$0x1C680] =	vst v63  }
0x88: {  	_ =	swait.ge [sflag:s28], $0x4000  }
0x89: {  	[sflag:s28] =	ssyncset.done $0x0  }
0x8a: {  	[sflag:s28] =	ssyncadd.s32 $0xFFFFC000  }
0x8b: {  	[spmem:s3] =	stream.indirect.scatter.add.f32 [tilespmem:s7], [sflag:$0x5], $0x1, s30, s6, $0xb8;
	[tilespmem:$0x1C680] =	vst v63  }
0x8c: {  	_ =	swait.ge [sflag:s8], $0x80  }
0x8d: {  	[sflag:s8] =	ssyncset.done $0x0  }
0x8e: {  	s14 =	rddreg [dreg:$0x11];
	[sflag:s8] =	ssyncadd.s32 $0xFFFFFF80  }
0x8f: {  	[tilespmem:s26], [sflag:$0x1] =	stream.linear.gather [hbm4b:s14+s12], $0x4000, $0x38;
	[tilespmem:$0x1C680] =	vst v63  }
0x90: {  	s15 =	rddreg [dreg:$0xf]  }
0x91: {  	[tilespmem:s30], [sflag:$0x3] =	stream.linear.gather [hbm4b:s15+s12], $0x80, $0x38;
	[tilespmem:$0x1C680] =	vst v63  }
0x92: {  	_ =	swait.ge [sflag:s9], $0x4000  }
0x93: {  	[sflag:s9] =	ssyncset.done $0x0  }
0x94: {  	[sflag:s9] =	ssyncadd.s32 $0xFFFFC000  }
0x95: {  	_ =	swait.ge [sflag:s10], $0x80  }
0x96: {  	[sflag:s10] =	ssyncset.done $0x0  }
0x97: {  	[sflag:s10] =	ssyncadd.s32 $0xFFFFFF80  }
0x98: {  	[spmem:s2] =	stream.indirect.scatter.add.f32 [tilespmem:s31], [sflag:$0x7], $0x80, s1, s6, $0xb8;
	[tilespmem:$0x1C680] =	vst v63  }
0x99: {  	_ =	swait.ge [sflag:s28], $0x4000  }
0x9a: {  	[sflag:s28] =	ssyncset.done $0x0  }
0x9b: {  	[sflag:s28] =	ssyncadd.s32 $0xFFFFC000  }
0x9c: {  	[spmem:s3] =	stream.indirect.scatter.add.f32 [tilespmem:s7], [sflag:$0x6], $0x1, s1, s6, $0xb8;
	[tilespmem:$0x1C680] =	vst v63  }
0x9d: {  	_ =	swait.ge [sflag:s24], $0x80  }
0x9e: {  	[sflag:s24] =	ssyncset.done $0x0  }
0x9f: {  	s14 =	sadd.s32 $0xFFFF0000, s25;
	s15 =	sadd.s32 $0x0, s16;
	[sflag:s24] =	ssyncadd.s32 $0xFFFFFF80  }
0xa0: {  	[tilespmem:s31], [sflag:$0x2] =	stream.linear.gather [hbm4b:s14+s4], $0x4000, $0x38;
	[tilespmem:$0x1C680] =	vst v63  }
0xa1: {  	s14 =	sadd.s32 $0x600, s15  }
0xa2: {  	[tilespmem:s1], [sflag:$0x4] =	stream.linear.gather [hbm4b:s14+s4], $0x80, $0x38;
	[tilespmem:$0x1C680] =	vst v63  }
0xa3: {  	_ =	swait.ge [sflag:s29], $0x4000  }
0xa4: {  	[sflag:s29] =	ssyncset.done $0x0  }
0xa5: {  	[sflag:s29] =	ssyncadd.s32 $0xFFFFC000  }
0xa6: {  	_ =	swait.ge [sflag:s0], $0x80  }
0xa7: {  	[sflag:s0] =	ssyncset.done $0x0  }
0xa8: {  	[sflag:s0] =	ssyncadd.s32 $0xFFFFFF80  }
0xa9: {  	[spmem:s2] =	stream.indirect.scatter.add.f32 [tilespmem:s26], [sflag:$0x7], $0x80, s30, s6, $0xb8;
	[tilespmem:$0x1C680] =	vst v63  }
0xaa: {  	_ =	swait.ge [sflag:s28], $0x4000  }
0xab: {  	[sflag:s28] =	ssyncset.done $0x0  }
0xac: {  	[sflag:s28] =	ssyncadd.s32 $0xFFFFC000  }
0xad: {  	[spmem:s3] =	stream.indirect.scatter.add.f32 [tilespmem:s7], [sflag:$0x5], $0x1, s30, s6, $0xb8;
	[tilespmem:$0x1C680] =	vst v63  }
0xae: {  	_ =	swait.ge [sflag:s8], $0x80  }
0xaf: {  	[sflag:s8] =	ssyncset.done $0x0  }
0xb0: {  	[sflag:s8] =	ssyncadd.s32 $0xFFFFFF80  }
0xb1: {  	[tilespmem:s26], [sflag:$0x1] =	stream.linear.gather [hbm4b:s25+s4], $0x4000, $0x38;
	[tilespmem:$0x1C680] =	vst v63  }
0xb2: {  	s15 =	sadd.s32 $0x800, s15  }
0xb3: {  	[tilespmem:s30], [sflag:$0x3] =	stream.linear.gather [hbm4b:s15+s4], $0x80, $0x38;
	[tilespmem:$0x1C680] =	vst v63  }
0xb4: {  	_ =	swait.ge [sflag:s9], $0x4000  }
0xb5: {  	[sflag:s9] =	ssyncset.done $0x0  }
0xb6: {  	[sflag:s9] =	ssyncadd.s32 $0xFFFFC000  }
0xb7: {  	_ =	swait.ge [sflag:s10], $0x80  }
0xb8: {  	[sflag:s10] =	ssyncset.done $0x0  }
0xb9: {  	[sflag:s10] =	ssyncadd.s32 $0xFFFFFF80  }
0xba: {  	[spmem:s2] =	stream.indirect.scatter.add.f32 [tilespmem:s31], [sflag:$0x7], $0x80, s1, s6, $0xb8;
	[tilespmem:$0x1C680] =	vst v63  }
0xbb: {  	_ =	swait.ge [sflag:s28], $0x4000  }
0xbc: {  	[sflag:s28] =	ssyncset.done $0x0  }
0xbd: {  	s13 =	sadd.s32 $0x20000, s25;
	s12 =	simm.s32 $0x400;
	[sflag:s28] =	ssyncadd.s32 $0xFFFFC000  }
.LBB2_4:
0xbe: {  	[spmem:s3] =	stream.indirect.scatter.add.f32 [tilespmem:s7], [sflag:$0x6], $0x1, s1, s6, $0xb8;
	[tilespmem:$0x1C680] =	vst v63  }
0xbf: {  	s14 =	smov.u32 s12  }
0xc0: {  	p1 =	sne.s32 s12, $0x5C00;
	s12 =	sadd.s32 $0x400, s12;
	_ =	swait.ge [sflag:s24], $0x80  }
0xc1: {  	[sflag:s24] =	ssyncset.done $0x0  }
0xc2: {  	s15 =	sadd.s32 $0xFFFF0000, s13;
	s14 =	sadd.s32 s14, s16;
	[sflag:s24] =	ssyncadd.s32 $0xFFFFFF80  }
0xc3: {  	[tilespmem:s31], [sflag:$0x2] =	stream.linear.gather [hbm4b:s15+s4], $0x4000, $0x38;
	[tilespmem:$0x1C680] =	vst v63  }
0xc4: {  	s15 =	sadd.s32 $0x600, s14  }
0xc5: {  	[tilespmem:s1], [sflag:$0x4] =	stream.linear.gather [hbm4b:s15+s4], $0x80, $0x38;
	[tilespmem:$0x1C680] =	vst v63  }
0xc6: {  	_ =	swait.ge [sflag:s29], $0x4000  }
0xc7: {  	[sflag:s29] =	ssyncset.done $0x0  }
0xc8: {  	[sflag:s29] =	ssyncadd.s32 $0xFFFFC000  }
0xc9: {  	_ =	swait.ge [sflag:s0], $0x80  }
0xca: {  	[sflag:s0] =	ssyncset.done $0x0  }
0xcb: {  	[sflag:s0] =	ssyncadd.s32 $0xFFFFFF80  }
0xcc: {  	[spmem:s2] =	stream.indirect.scatter.add.f32 [tilespmem:s26], [sflag:$0x7], $0x80, s30, s6, $0xb8;
	[tilespmem:$0x1C680] =	vst v63  }
0xcd: {  	_ =	swait.ge [sflag:s28], $0x4000  }
0xce: {  	[sflag:s28] =	ssyncset.done $0x0  }
0xcf: {  	[sflag:s28] =	ssyncadd.s32 $0xFFFFC000  }
0xd0: {  	[spmem:s3] =	stream.indirect.scatter.add.f32 [tilespmem:s7], [sflag:$0x5], $0x1, s30, s6, $0xb8;
	[tilespmem:$0x1C680] =	vst v63  }
0xd1: {  	_ =	swait.ge [sflag:s8], $0x80  }
0xd2: {  	[sflag:s8] =	ssyncset.done $0x0  }
0xd3: {  	[sflag:s8] =	ssyncadd.s32 $0xFFFFFF80  }
0xd4: {  	[tilespmem:s26], [sflag:$0x1] =	stream.linear.gather [hbm4b:s13+s4], $0x4000, $0x38;
	[tilespmem:$0x1C680] =	vst v63  }
0xd5: {  	s14 =	sadd.s32 $0x800, s14  }
0xd6: {  	[tilespmem:s30], [sflag:$0x3] =	stream.linear.gather [hbm4b:s14+s4], $0x80, $0x38;
	[tilespmem:$0x1C680] =	vst v63  }
0xd7: {  	_ =	swait.ge [sflag:s9], $0x4000  }
0xd8: {  	[sflag:s9] =	ssyncset.done $0x0  }
0xd9: {  	[sflag:s9] =	ssyncadd.s32 $0xFFFFC000  }
0xda: {  	_ =	swait.ge [sflag:s10], $0x80  }
0xdb: {  	[sflag:s10] =	ssyncset.done $0x0  }
.Ltmp1:
0xdc: {  	[sflag:s10] =	ssyncadd.s32 $0xFFFFFF80;
	(pc) =	sbr.rel @p1 .LBB2_4-.Ltmp1, $4  }
0xdd: {  	[spmem:s2] =	stream.indirect.scatter.add.f32 [tilespmem:s31], [sflag:$0x7], $0x80, s1, s6, $0xb8;
	[tilespmem:$0x1C680] =	vst v63  }
0xde: {  	_ =	swait.ge [sflag:s28], $0x4000  }
0xdf: {  	[sflag:s28] =	ssyncset.done $0x0  }
0xe0: {  	s13 =	sadd.s32 $0x20000, s13;
	[sflag:s28] =	ssyncadd.s32 $0xFFFFC000  }
0xe1: {  	[spmem:s3] =	stream.indirect.scatter.add.f32 [tilespmem:s7], [sflag:$0x6], $0x1, s1, s6, $0xb8;
	[tilespmem:$0x1C680] =	vst v63  }
0xe2: {  	_ =	swait.ge [sflag:s24], $0x80  }
0xe3: {  	[sflag:s24] =	ssyncset.done $0x0  }
0xe4: {  	s12 =	simm.s32 @!p0 $0x0;
	s13 =	simm.s32 @!p0 $0x18280;
	[sflag:s24] =	ssyncadd.s32 $0xFFFFFF80  }
0xe5: {  	[tilespmem:s13], [sflag:$0x2] =	stream.linear.gather @!p0 [hbm4b:s18+s12], $0x4000, $0x38;
	[tilespmem:$0x1C680] =	vst v63  }
0xe6: {  	s14 =	simm.s32 @!p0 $0x1C300;
	s15 =	rddreg [dreg:$0x10]  }
0xe7: {  	[tilespmem:s14], [sflag:$0x4] =	stream.linear.gather @!p0 [hbm4b:s15+s12], $0x80, $0x38;
	[tilespmem:$0x1C680] =	vst v63  }
0xe8: {  	_ =	swait.ge [sflag:s29], $0x4000  }
0xe9: {  	[sflag:s29] =	ssyncset.done $0x0  }
0xea: {  	[sflag:s29] =	ssyncadd.s32 $0xFFFFC000  }
0xeb: {  	_ =	swait.ge [sflag:s0], $0x80  }
0xec: {  	[sflag:s0] =	ssyncset.done $0x0  }
0xed: {  	[sflag:s0] =	ssyncadd.s32 $0xFFFFFF80  }
0xee: {  	[spmem:s2] =	stream.indirect.scatter.add.f32 [tilespmem:s26], [sflag:$0x7], $0x80, s30, s6, $0xb8;
	[tilespmem:$0x1C680] =	vst v63  }
0xef: {  	_ =	swait.ge [sflag:s28], $0x4000  }
0xf0: {  	[sflag:s28] =	ssyncset.done $0x0  }
0xf1: {  	s12 =	simm.s32 @!p0 $0x5;
	[sflag:s28] =	ssyncadd.s32 $0xFFFFC000  }
0xf2: {  	[spmem:s3] =	stream.indirect.scatter.add.f32 [tilespmem:s7], [sflag:$0x5], $0x1, s30, s6, $0xb8;
	[tilespmem:$0x1C680] =	vst v63  }
0xf3: {  	_ =	swait.ge @!p0 [sflag:s12], $0x80  }
0xf4: {  	[sflag:s12] =	ssyncset.done @!p0 $0x0  }
0xf5: {  	[sflag:s12] =	ssyncadd.s32 @!p0 $0xFFFFFF80;
	s12 =	simm.s32 @!p0 $0x2  }
0xf6: {  	_ =	swait.ge @!p0 [sflag:s12], $0x4000  }
0xf7: {  	[sflag:s12] =	ssyncset.done @!p0 $0x0  }
0xf8: {  	[sflag:s12] =	ssyncadd.s32 @!p0 $0xFFFFC000;
	s12 =	simm.s32 @!p0 $0x4  }
0xf9: {  	_ =	swait.ge @!p0 [sflag:s12], $0x80  }
0xfa: {  	[sflag:s12] =	ssyncset.done @!p0 $0x0  }
0xfb: {  	[sflag:s12] =	ssyncadd.s32 @!p0 $0xFFFFFF80;
	s12 =	simm.s32 @!p0 $0x80  }
0xfc: {  	[spmem:s2] =	stream.indirect.scatter.add.f32 @!p0 [tilespmem:s13], [sflag:$0x7], $0x80, s14, s12, $0xb8;
	[tilespmem:$0x1C680] =	vst v63  }
0xfd: {  	s13 =	simm.s32 @!p0 $0x7  }
0xfe: {  	_ =	swait.ge @!p0 [sflag:s13], $0x4000  }
0xff: {  	[sflag:s13] =	ssyncset.done @!p0 $0x0  }
0x100: {  	[sflag:s13] =	ssyncadd.s32 @!p0 $0xFFFFC000;
	s13 =	simm.s32 @!p0 $0x1C380  }
0x101: {  	[spmem:s3] =	stream.indirect.scatter.add.f32 @!p0 [tilespmem:s13], [sflag:$0x6], $0x1, s14, s12, $0xb8;
	[tilespmem:$0x1C680] =	vst v63  }
0x102: {  	_ =	swait.ge [sflag:s22], $0x80  }
0x103: {  	s14 =	stileid.u32;
	[sflag:s22] =	ssyncset.done $0x0  }
0x104: {  	s11 =	sadd.s32 $0x1, s11;
	s12 =	sshll.u32 s14, $0x6;
	[sflag:s22] =	ssyncadd.s32 $0xFFFFFF80  }
0x105: {  	s15 =	sshrl.u32 s5, $0x3;
	s12 =	sor.u32 $0x1C07, s12;
	[bflag:$0x0] =	sbarrier.arrive $0xFFFF  }
0x106: {  	[hbm:s21], [sflag:s12] =	dma.local [spmem:s15], $0x2800  }
0x107: {  	p1 =	sne.s32 s11, s23;
	_ =	swait.ge [sflag:s28], $0x2800  }
0x108: {  	s13 =	sshrl.u32 s20, $0x3;
	s15 =	simm.s32 $0x20;
	[sflag:s28] =	ssyncset.done $0x0  }
.Ltmp2:
0x109: {  	s14 =	rddreg [dreg:$0xc];
	[sflag:s28] =	ssyncadd.s32 $0xFFFFD800;
	(pc) =	sbr.rel @p1 .LBB2_1-.Ltmp2, $4  }
0x10a: {  	[hbm:s14@s15], [sflag:s12] =	dma.strided [spmem:s13@s17], $0x50, s29, $0x10   }
0x10b: {  	_ =	swait.ge [sflag:s28], $0x50  }
0x10c: {  	[sflag:s28] =	ssyncset.done $0x0  }
0x10d: {  	[sflag:s28] =	ssyncadd.s32 $0xFFFFFFB0  }
0x10e: {  	_ =	sfence.sel $0x180000  }
0x10f: {  	[bflag:$0x0] =	sbarrier.arrive $0xFFFF  }
0x110: {  	_ =	strace $0x90000047  }
0x111: {  	s0 =	stileid.u32;
	[bflag:$0x2] =	sbarrier.arrive $0xFFFF  }
0x112: {  	p0 =	sne.s32 s0, $0x0;
	s0 =	rddreg [dreg:$0x6]  }
0x113: {  	s0 =	sadd.s32 @!p0 $0x100000, s0  }
0x114: {  	[sflag:s0] =	ssyncadd.tile.s32 @!p0 $0x1;
	_ =	shalt  }
.Lfunc_end2:
_tile_overlayer_lowered:
.L_overlay_start_2:
0x115: {  	(tag) =	ssettag $0x2  }
0x116: {  	s0 =	rddreg [dreg:$0x0];
	s2 =	stileid.u32  }
0x117: {  	s1 =	rddreg [dreg:$0x1];
	p0 =	sne.s32 s2, $0x0  }
0x118: {  	s3 =	rddreg [dreg:$0x2];
	[bflag:$0x3] =	sbarrier.arrive $0xFFFF;
	s2 =	simm.s32 @!p0 $0x1C07  }
0x119: {  	[timem:s3], [sflag:s2] =	dma.local @!p0 [hbm:s0], s1  }
0x11a: {  	s0 =	simm.s32 @!p0 $0x7  }
0x11b: {  	_ =	swait.ge @!p0 [sflag:s0], s1  }
0x11c: {  	s1 =	ssub.s32 @!p0 $0x0, s1;
	[sflag:s0] =	ssyncset.done @!p0 $0x0  }
0x11d: {  	[sflag:s0] =	ssyncadd.s32 @!p0 s1  }
0x11e: {  	[bflag:$0x3] =	sbarrier.arrive $0xFFFF  }
0x11f: {  	_ =	shalt  }

</sc_bundles>
